<compile_context>
chip_gen: v7x
topology: tpu7x:2x2x1
jax: 0.10.2.dev20260603
libtpu: 0.0.44.dev20260713+nightly
codegen_flags: <defaults>
</compile_context>

<pallas_src>
import jax
import jax.numpy as jnp
from jax import lax
from jax.experimental import pallas as pl
from jax.experimental.pallas import tpu as pltpu
from jax.experimental.pallas import tpu_sc as plsc

_THRESHOLD = 0.99
_EPSILON = 0.01

_L = 16
_B = 16
_T = 512
_D = 4096
_DH = _D // 2
_CH = 8
_NCHUNK = _T // _L

_GATHER_DNUMS = lax.GatherDimensionNumbers(
    offset_dims=(), collapsed_slice_dims=(0,), start_index_map=(0,))


def _lane_bcast(x, lane):
    idx = jnp.full((_L,), lane, jnp.int32)
    return lax.gather(x, idx[:, None], _GATHER_DNUMS, (1,),
                      mode=lax.GatherScatterMode.PROMISE_IN_BOUNDS)


def _act_body(halt_hbm, sw_hbm, out_hbm,
              final_hbm, ponder_hbm, weights_hbm,
              halt_v, sw_v, cum_v, w_v, buf_v, acc_v, pond1,
              sem_h, sem_s, sem_b):
    c = lax.axis_index("c")
    b = lax.axis_index("s")
    col0 = c * _DH
    iota = lax.iota(jnp.int32, _L)

    cp_h = pltpu.async_copy(halt_hbm.at[b], halt_v, sem_h)
    cp_s = pltpu.async_copy(sw_hbm.at[b], sw_v, sem_s)
    cp_b = pltpu.async_copy(
        out_hbm.at[b, pl.ds(0, _CH), pl.ds(col0, _DH)], buf_v, sem_b)
    cp_h.wait()

    def a_cond(carry):
        i, _, below_v = carry
        return (i < _NCHUNK) & (jnp.max(below_v) >= i * _L)

    def a_body(carry):
        i, run_v, below_v = carry
        hp = halt_v[pl.ds(i * _L, _L)]
        cum = plsc.cumsum(hp) + run_v
        cum_v[pl.ds(i * _L, _L)] = cum
        run_v = _lane_bcast(cum, 15)
        below_v = below_v + plsc.all_reduce_population_count(cum < _THRESHOLD)
        return i + 1, run_v, below_v

    _, _, below_v = lax.while_loop(
        a_cond, a_body,
        (jnp.int32(0), jnp.zeros((_L,), jnp.float32),
         jnp.zeros((_L,), jnp.int32)))
    hs = jnp.minimum(jnp.max(below_v), _T - 1)

    idx_hs = jnp.full((_L,), hs, jnp.int32)
    cum_hs = plsc.load_gather(cum_v, [idx_hs])
    hp_hs = plsc.load_gather(halt_v, [idx_hs])
    remaining = 1.0 - cum_hs + hp_hs

    cp_s.wait()

    nchunk_used = hs // _L + 1

    def pass_b(i, carry):
        wsum_v, pmom_v = carry
        pos = i * _L + iota
        hp = halt_v[pl.ds(i * _L, _L)]
        sw = sw_v[pl.ds(i * _L, _L)]
        w = jnp.where(pos < hs, hp,
                      jnp.where(pos == hs, remaining, 0.0)) * sw
        w_v[pl.ds(i * _L, _L)] = w
        return wsum_v + w, pmom_v + w * (pos + 1).astype(jnp.float32)

    wsum_v, pmom_v = lax.fori_loop(
        0, nchunk_used, pass_b,
        (jnp.zeros((_L,), jnp.float32), jnp.zeros((_L,), jnp.float32)))

    wsum = jnp.maximum(jnp.sum(wsum_v), _EPSILON)
    inv_v = 1.0 / jnp.full((_L,), wsum, jnp.float32)

    cp_b.wait()
    w16_0 = w_v[pl.ds(0, _L)] * inv_v
    wv0 = [_lane_bcast(w16_0, r) for r in range(_CH)]

    @pl.when(hs < 4)
    def _():
        @plsc.parallel_loop(0, _DH // _L, unroll=4)
        def dstep0_fast(d):
            sl = pl.ds(d * _L, _L)
            a = wv0[0] * buf_v[0, sl]
            for r in range(1, 4):
                a = a + wv0[r] * buf_v[r, sl]
            acc_v[sl] = a

    @pl.when(hs >= 4)
    def _():
        @plsc.parallel_loop(0, _DH // _L, unroll=4)
        def dstep0(d):
            sl = pl.ds(d * _L, _L)
            a = wv0[0] * buf_v[0, sl]
            for r in range(1, _CH):
                a = a + wv0[r] * buf_v[r, sl]
            acc_v[sl] = a

    nblk = hs // _CH + 1

    def blk(j, _):
        pltpu.sync_copy(
            out_hbm.at[b, pl.ds(j * _CH, _CH), pl.ds(col0, _DH)], buf_v)
        w16 = w_v[pl.ds((j // 2) * _L, _L)] * inv_v
        lane0 = (j % 2) * _CH
        wv = [_lane_bcast(w16, lane0 + r) for r in range(_CH)]

        @plsc.parallel_loop(0, _DH // _L, unroll=2)
        def dstep(d):
            sl = pl.ds(d * _L, _L)
            a = acc_v[sl]
            for r in range(_CH):
                a = a + wv[r] * buf_v[r, sl]
            acc_v[sl] = a
        return 0

    lax.fori_loop(1, nblk, blk, 0)

    cp_f = pltpu.async_copy(acc_v, final_hbm.at[b, pl.ds(col0, _DH)], sem_b)

    @pl.when(c == 1)
    def _():
        def norm(i, _):
            sl = pl.ds(i * _L, _L)
            w_v[sl] = w_v[sl] * inv_v
            return 0

        lax.fori_loop(0, nchunk_used, norm, 0)

        @plsc.parallel_loop(nchunk_used, _NCHUNK, unroll=4)
        def zero_w(i):
            w_v[pl.ds(i * _L, _L)] = jnp.zeros((_L,), jnp.float32)
        pltpu.sync_copy(w_v, weights_hbm.at[b])

    @pl.when(c == 0)
    def _():
        pond1[...] = jnp.where(
            iota == 0,
            jnp.full((_L,), jnp.sum(pmom_v), jnp.float32) * inv_v, 0.0)
        pltpu.sync_copy(pond1, ponder_hbm.at[b])

    cp_f.wait()


_act_call = pl.kernel(
    _act_body,
    out_type=[
        jax.ShapeDtypeStruct((_B, _D), jnp.float32),
        jax.ShapeDtypeStruct((_B, _L), jnp.float32),
        jax.ShapeDtypeStruct((_B, _T), jnp.float32),
    ],
    mesh=plsc.VectorSubcoreMesh(core_axis_name="c", subcore_axis_name="s"),
    compiler_params=pltpu.CompilerParams(needs_layout_passes=False),
    scratch_types=[
        pltpu.VMEM((_T,), jnp.float32),
        pltpu.VMEM((_T,), jnp.float32),
        pltpu.VMEM((_T,), jnp.float32),
        pltpu.VMEM((_T,), jnp.float32),
        pltpu.VMEM((_CH, _DH), jnp.float32),
        pltpu.VMEM((_DH,), jnp.float32),
        pltpu.VMEM((_L,), jnp.float32),
        pltpu.SemaphoreType.DMA,
        pltpu.SemaphoreType.DMA,
        pltpu.SemaphoreType.DMA,
    ],
)


@jax.jit
def kernel(halt_probs, outputs, step_weights):
    halt = halt_probs.reshape(_B, _T)
    final_output, pond_padded, weights = _act_call(halt, step_weights, outputs)
    return (final_output, pond_padded[:, 0], weights)

# --- scband reference (transcript-rebuilt; emitter-appended) ---
"""Pipeline reference for scband-acthalting-61194694033990 (READ-ONLY COPY).

The authoritative reference and input builder live on the scoring server;
editing this copy changes nothing except your own understanding.
"""

import jax, jax.numpy as jnp
import numpy as np

THRESHOLD = 0.99
EPSILON = 0.01

def setup_inputs(seed: int = 0) -> dict:
    key = jax.random.key(seed)
    k1, k2, k3 = jax.random.split(key, 3)
    halt_probs = jax.random.uniform(k1, (16, 512, 1), dtype=jnp.float32)
    outputs = jax.random.normal(k2, (16, 512, 4096), dtype=jnp.float32)
    step_weights = jax.random.uniform(k3, (16, 512), dtype=jnp.float32)
    return {"halt_probs": halt_probs, "outputs": outputs, "step_weights": step_weights}

def reference(halt_probs, outputs, step_weights):
    B, T = halt_probs.shape[:2]
    halt_p = jnp.squeeze(halt_probs, -1)
    cum_halt = jnp.cumsum(halt_p, axis=1)
    exceeds = cum_halt >= THRESHOLD
    first_idx = jnp.argmax(exceeds, axis=1)
    any_exceeds = jnp.any(exceeds, axis=1)
    halt_steps = jnp.where(any_exceeds, first_idx, T - 1)
    hs = halt_steps[:, None]
    pos = jnp.arange(T)[None, :]
    remaining = 1.0 - jnp.take_along_axis(cum_halt, hs, axis=1) + jnp.take_along_axis(halt_p, hs, axis=1)
    # torch version extracts remaining_prob via .item(), detaching it from autograd
    remaining = jax.lax.stop_gradient(remaining)
    weights = jnp.where(pos < hs, halt_p, 0.0)
    weights = jnp.where(pos == hs, remaining, weights)
    weights = weights * step_weights
    weight_sums = jnp.maximum(jnp.sum(weights, axis=1, keepdims=True), EPSILON)
    weights = weights / weight_sums
    final_output = jnp.sum(weights[:, :, None] * outputs, axis=1)
    ponder_cost = jnp.sum(weights * jnp.arange(1, T + 1, dtype=jnp.float32)[None, :], axis=1)
    return (final_output, ponder_cost, weights)

if __name__ == "__main__":
    import jax
    _d = setup_inputs()
    print(jax.jit(kernel)(*tuple(_d.values())))

</pallas_src>

<mosaic_0001>
#map = affine_map<(d0, d1) -> (0, 0)>
#map1 = affine_map<(d0, d1) -> (0, 0, 0)>
module attributes {stable_mosaic.version = 14 : i64} {
  func.func @_act_body(%arg0: i32, %arg1: i32, %arg2: memref<16x512xf32, #tpu.memory_space<hbm>>, %arg3: memref<16x512xf32, #tpu.memory_space<hbm>>, %arg4: memref<16x512x4096xf32, #tpu.memory_space<hbm>>, %arg5: memref<16x4096xf32, #tpu.memory_space<hbm>>, %arg6: memref<16x16xf32, #tpu.memory_space<hbm>>, %arg7: memref<16x512xf32, #tpu.memory_space<hbm>>, %arg8: memref<512xf32, #tpu.memory_space<vmem>>, %arg9: memref<512xf32, #tpu.memory_space<vmem>>, %arg10: memref<512xf32, #tpu.memory_space<vmem>>, %arg11: memref<512xf32, #tpu.memory_space<vmem>>, %arg12: memref<8x2048xf32, #tpu.memory_space<vmem>>, %arg13: memref<2048xf32, #tpu.memory_space<vmem>>, %arg14: memref<16xf32, #tpu.memory_space<vmem>>, %arg15: memref<!tpu.dma_semaphore, #tpu.memory_space<semaphore_mem>>, %arg16: memref<!tpu.dma_semaphore, #tpu.memory_space<semaphore_mem>>, %arg17: memref<!tpu.dma_semaphore, #tpu.memory_space<semaphore_mem>>) attributes {dimension_semantics = [#tpu.dimension_semantics<core_parallel>, #tpu.dimension_semantics<subcore_parallel>], iteration_bounds = array<i64: 2, 16>, scalar_prefetch = 0 : i64, scratch_operands = 10 : i64, tpu.core_type = #tpu.core_type<sc_vector_subcore>, window_params = [{transform_indices = #map}, {transform_indices = #map}, {transform_indices = #map1}, {transform_indices = #map}, {transform_indices = #map}, {transform_indices = #map}]} {
    %mul3A = arith.constant 2048 : i32
    %mul3A_0 = arith.muli %arg0, %mul3A : i32
    %iota3A = tpu.iota {dimensions = array<i32: 0>} : vector<16xi32>
    %dma_start3A = arith.constant 0 : i32
    %dma_start3A_1 = tpu.memref_slice %arg2[%arg1, %dma_start3A] : memref<16x512xf32, #tpu.memory_space<hbm>> -> memref<1x512xf32, #tpu.memory_space<hbm>>
    %dma_start3A_2 = tpu.memref_squeeze %dma_start3A_1 : memref<1x512xf32, #tpu.memory_space<hbm>> -> memref<512xf32, #tpu.memory_space<hbm>>
    %dma_start3A_3 = arith.constant 0 : i32
    %dma_start3A_4 = tpu.memref_slice %arg2[%arg1, %dma_start3A_3] : memref<16x512xf32, #tpu.memory_space<hbm>> -> memref<1x512xf32, #tpu.memory_space<hbm>>
    %dma_start3A_5 = tpu.memref_squeeze %dma_start3A_4 : memref<1x512xf32, #tpu.memory_space<hbm>> -> memref<512xf32, #tpu.memory_space<hbm>>
    tpu.enqueue_dma source(%dma_start3A_5 : memref<512xf32, #tpu.memory_space<hbm>>) target(%arg8 : memref<512xf32, #tpu.memory_space<vmem>>) target_semaphore(%arg15 : memref<!tpu.dma_semaphore, #tpu.memory_space<semaphore_mem>>)
    %dma_start3A_6 = arith.constant 0 : i32
    %dma_start3A_7 = tpu.memref_slice %arg3[%arg1, %dma_start3A_6] : memref<16x512xf32, #tpu.memory_space<hbm>> -> memref<1x512xf32, #tpu.memory_space<hbm>>
    %dma_start3A_8 = tpu.memref_squeeze %dma_start3A_7 : memref<1x512xf32, #tpu.memory_space<hbm>> -> memref<512xf32, #tpu.memory_space<hbm>>
    %dma_start3A_9 = arith.constant 0 : i32
    %dma_start3A_10 = tpu.memref_slice %arg3[%arg1, %dma_start3A_9] : memref<16x512xf32, #tpu.memory_space<hbm>> -> memref<1x512xf32, #tpu.memory_space<hbm>>
    %dma_start3A_11 = tpu.memref_squeeze %dma_start3A_10 : memref<1x512xf32, #tpu.memory_space<hbm>> -> memref<512xf32, #tpu.memory_space<hbm>>
    tpu.enqueue_dma source(%dma_start3A_11 : memref<512xf32, #tpu.memory_space<hbm>>) target(%arg9 : memref<512xf32, #tpu.memory_space<vmem>>) target_semaphore(%arg16 : memref<!tpu.dma_semaphore, #tpu.memory_space<semaphore_mem>>)
    %dma_start3A_12 = arith.constant 0 : i32
    %dma_start3A_13 = tpu.memref_slice %arg4[%arg1, %dma_start3A_12, %mul3A_0] : memref<16x512x4096xf32, #tpu.memory_space<hbm>> -> memref<1x8x2048xf32, #tpu.memory_space<hbm>>
    %dma_start3A_14 = tpu.memref_squeeze %dma_start3A_13 : memref<1x8x2048xf32, #tpu.memory_space<hbm>> -> memref<8x2048xf32, #tpu.memory_space<hbm>>
    %dma_start3A_15 = arith.constant 0 : i32
    %dma_start3A_16 = tpu.memref_slice %arg4[%arg1, %dma_start3A_15, %mul3A_0] : memref<16x512x4096xf32, #tpu.memory_space<hbm>> -> memref<1x8x2048xf32, #tpu.memory_space<hbm>>
    %dma_start3A_17 = tpu.memref_squeeze %dma_start3A_16 : memref<1x8x2048xf32, #tpu.memory_space<hbm>> -> memref<8x2048xf32, #tpu.memory_space<hbm>>
    tpu.enqueue_dma source(%dma_start3A_17 : memref<8x2048xf32, #tpu.memory_space<hbm>>) target(%arg12 : memref<8x2048xf32, #tpu.memory_space<vmem>>) target_semaphore(%arg17 : memref<!tpu.dma_semaphore, #tpu.memory_space<semaphore_mem>>)
    %dma_wait3A = arith.constant 0 : i32
    %dma_wait3A_18 = tpu.memref_slice %arg2[%arg1, %dma_wait3A] : memref<16x512xf32, #tpu.memory_space<hbm>> -> memref<1x512xf32, #tpu.memory_space<hbm>>
    %dma_wait3A_19 = tpu.memref_squeeze %dma_wait3A_18 : memref<1x512xf32, #tpu.memory_space<hbm>> -> memref<512xf32, #tpu.memory_space<hbm>>
    %dma_wait3A_20 = arith.constant 0 : i32
    %dma_wait3A_21 = tpu.memref_slice %arg2[%arg1, %dma_wait3A_20] : memref<16x512xf32, #tpu.memory_space<hbm>> -> memref<1x512xf32, #tpu.memory_space<hbm>>
    %dma_wait3A_22 = tpu.memref_squeeze %dma_wait3A_21 : memref<1x512xf32, #tpu.memory_space<hbm>> -> memref<512xf32, #tpu.memory_space<hbm>>
    tpu.wait_dma2 semaphore(%arg15 : memref<!tpu.dma_semaphore, #tpu.memory_space<semaphore_mem>>) src(%dma_wait3A_22 : memref<512xf32, #tpu.memory_space<hbm>>) dst(%arg8 : memref<512xf32, #tpu.memory_space<vmem>>)
    %broadcast_in_dim3A = arith.constant 0.000000e+00 : f32
    %broadcast_in_dim3A_23 = vector.broadcast %broadcast_in_dim3A : f32 to vector<16xf32>
    %broadcast_in_dim3A_24 = arith.constant 0 : i32
    %broadcast_in_dim3A_25 = vector.broadcast %broadcast_in_dim3A_24 : i32 to vector<16xi32>
    %while3A = arith.constant 0 : i32
    %while3A_26:3 = scf.while (%while3A_196 = %while3A, %while3A_197 = %broadcast_in_dim3A_23, %while3A_198 = %broadcast_in_dim3A_25) : (i32, vector<16xf32>, vector<16xi32>) -> (i32, vector<16xf32>, vector<16xi32>) {
      %lt3A_199 = arith.constant 32 : i32
      %lt3A_200 = arith.cmpi slt, %while3A_196, %lt3A_199 : i32
      %reduce_max3A_201 = arith.constant true
      %reduce_max3A_202 = vector.broadcast %reduce_max3A_201 : i1 to vector<16xi1>
      %reduce_max3A_203 = arith.constant -2147483648 : i32
      %reduce_max3A_204 = vector.broadcast %reduce_max3A_203 : i32 to vector<16xi32>
      %reduce_max3A_205 = arith.xori %while3A_198, %reduce_max3A_204 : vector<16xi32>
      %reduce_max3A_206 = tpu.scan <max>, %reduce_max3A_205 masked %reduce_max3A_202 : vector<16xi32>, vector<16xi1> -> vector<16xi32>
      %reduce_max3A_207 = arith.xori %reduce_max3A_206, %reduce_max3A_204 : vector<16xi32>
      %reduce_max3A_208 = vector.extract %reduce_max3A_207[15] : i32 from vector<16xi32>
      %mul3A_209 = arith.constant 16 : i32
      %mul3A_210 = arith.muli %while3A_196, %mul3A_209 : i32
      %ge3A_211 = arith.cmpi sge, %reduce_max3A_208, %mul3A_210 : i32
      %and3A_212 = arith.andi %lt3A_200, %ge3A_211 : i1
      scf.condition(%and3A_212) %while3A_196, %while3A_197, %while3A_198 : i32, vector<16xf32>, vector<16xi32>
    } do {
    ^bb0(%while3A_196: i32, %while3A_197: vector<16xf32>, %while3A_198: vector<16xi32>):
      %mul3A_199 = arith.constant 16 : i32
      %mul3A_200 = arith.muli %while3A_196, %mul3A_199 : i32
      %get3A_201 = arith.index_cast %mul3A_200 : i32 to index
      %get3A_202 = tpu.vector_load %arg8[%get3A_201] {strides = array<i32>} : memref<512xf32, #tpu.memory_space<vmem>>, vector<16xf32>,
      %broadcast_in_dim3A_203 = arith.constant true
      %broadcast_in_dim3A_204 = vector.broadcast %broadcast_in_dim3A_203 : i1 to vector<16xi1>
      %masked_cumsum3A = tpu.scan <sum>, %get3A_202 masked %broadcast_in_dim3A_204 : vector<16xf32>, vector<16xi1> -> vector<16xf32>
      %add3A_205 = arith.addf %masked_cumsum3A, %while3A_197 : vector<16xf32>
      %mul3A_206 = arith.constant 16 : i32
      %mul3A_207 = arith.muli %while3A_196, %mul3A_206 : i32
      %swap3A = arith.index_cast %mul3A_207 : i32 to index
      %swap3A_208 = tpu.vector_load %arg10[%swap3A] {strides = array<i32>} : memref<512xf32, #tpu.memory_space<vmem>>, vector<16xf32>,
      tpu.vector_store %arg10[%swap3A], %add3A_205 {strides = array<i32>} : memref<512xf32, #tpu.memory_space<vmem>>, vector<16xf32>,
      %broadcast_in_dim3A_209 = arith.constant 15 : i32
      %broadcast_in_dim3A_210 = vector.broadcast %broadcast_in_dim3A_209 : i32 to vector<16xi32>
      %broadcast_in_dim3A_211 = vector.shape_cast %broadcast_in_dim3A_210 : vector<16xi32> to vector<16x1xi32>
      %gather3A_212 = vector.shape_cast %broadcast_in_dim3A_211 : vector<16x1xi32> to vector<16xi32>
      %gather3A_213 = tpu.dynamic_gather %add3A_205[%gather3A_212] in [0] : vector<16xf32>, vector<16xi32> -> vector<16xf32>
      %lt3A_214 = arith.constant 9.900000e-01 : f32
      %lt3A_215 = vector.broadcast %lt3A_214 : f32 to vector<16xf32>
      %lt3A_216 = arith.cmpf olt, %add3A_205, %lt3A_215 : vector<16xf32>
      %all_reduce_population_count3A = tpu.all_reduce %lt3A_216 {dim = 0 : i64, kind = #tpu.reduction_kind<sum>} : vector<16xi1> -> vector<16xi32>
      %add3A_217 = arith.addi %while3A_198, %all_reduce_population_count3A : vector<16xi32>
      %add3A_218 = arith.constant 1 : i32
      %add3A_219 = arith.addi %while3A_196, %add3A_218 : i32
      scf.yield %add3A_219, %gather3A_213, %add3A_217 : i32, vector<16xf32>, vector<16xi32>
    }
    %reduce_max3A = arith.constant true
    %reduce_max3A_27 = vector.broadcast %reduce_max3A : i1 to vector<16xi1>
    %reduce_max3A_28 = arith.constant -2147483648 : i32
    %reduce_max3A_29 = vector.broadcast %reduce_max3A_28 : i32 to vector<16xi32>
    %reduce_max3A_30 = arith.xori %while3A_26#2, %reduce_max3A_29 : vector<16xi32>
    %reduce_max3A_31 = tpu.scan <max>, %reduce_max3A_30 masked %reduce_max3A_27 : vector<16xi32>, vector<16xi1> -> vector<16xi32>
    %reduce_max3A_32 = arith.xori %reduce_max3A_31, %reduce_max3A_29 : vector<16xi32>
    %reduce_max3A_33 = vector.extract %reduce_max3A_32[15] : i32 from vector<16xi32>
    %min3A = arith.constant 511 : i32
    %min3A_34 = arith.minsi %reduce_max3A_33, %min3A : i32
    %broadcast_in_dim3A_35 = vector.broadcast %min3A_34 : i32 to vector<16xi32>
    %gather3A = tpu.vector_load_idx %arg10[%broadcast_in_dim3A_35] : memref<512xf32, #tpu.memory_space<vmem>>[vector<16xi32>], vector<16xf32>,
    %gather3A_36 = tpu.vector_load_idx %arg8[%broadcast_in_dim3A_35] : memref<512xf32, #tpu.memory_space<vmem>>[vector<16xi32>], vector<16xf32>,
    %sub3A = arith.constant 1.000000e+00 : f32
    %sub3A_37 = vector.broadcast %sub3A : f32 to vector<16xf32>
    %sub3A_38 = arith.subf %sub3A_37, %gather3A : vector<16xf32>
    %add3A = arith.addf %sub3A_38, %gather3A_36 : vector<16xf32>
    %dma_wait3A_39 = arith.constant 0 : i32
    %dma_wait3A_40 = tpu.memref_slice %arg3[%arg1, %dma_wait3A_39] : memref<16x512xf32, #tpu.memory_space<hbm>> -> memref<1x512xf32, #tpu.memory_space<hbm>>
    %dma_wait3A_41 = tpu.memref_squeeze %dma_wait3A_40 : memref<1x512xf32, #tpu.memory_space<hbm>> -> memref<512xf32, #tpu.memory_space<hbm>>
    %dma_wait3A_42 = arith.constant 0 : i32
    %dma_wait3A_43 = tpu.memref_slice %arg3[%arg1, %dma_wait3A_42] : memref<16x512xf32, #tpu.memory_space<hbm>> -> memref<1x512xf32, #tpu.memory_space<hbm>>
    %dma_wait3A_44 = tpu.memref_squeeze %dma_wait3A_43 : memref<1x512xf32, #tpu.memory_space<hbm>> -> memref<512xf32, #tpu.memory_space<hbm>>
    tpu.wait_dma2 semaphore(%arg16 : memref<!tpu.dma_semaphore, #tpu.memory_space<semaphore_mem>>) src(%dma_wait3A_44 : memref<512xf32, #tpu.memory_space<hbm>>) dst(%arg9 : memref<512xf32, #tpu.memory_space<vmem>>)
    %jit3A = arith.constant 16 : i32
    %div3A = arith.divsi %min3A_34, %jit3A : i32
    %sign3A = arith.constant 0 : i32
    %sign3A_45 = arith.cmpi sgt, %min3A_34, %sign3A : i32
    %sign3A_46 = arith.extui %sign3A_45 : i1 to i32
    %sign3A_47 = arith.constant 0 : i32
    %sign3A_48 = arith.cmpi slt, %min3A_34, %sign3A_47 : i32
    %sign3A_49 = arith.extui %sign3A_48 : i1 to i32
    %sign3A_50 = arith.subi %sign3A_46, %sign3A_49 : i32
    %sign3A_51 = arith.constant 0 : i32
    %sign3A_52 = arith.cmpi sgt, %jit3A, %sign3A_51 : i32
    %sign3A_53 = arith.extui %sign3A_52 : i1 to i32
    %sign3A_54 = arith.constant 0 : i32
    %sign3A_55 = arith.cmpi slt, %jit3A, %sign3A_54 : i32
    %sign3A_56 = arith.extui %sign3A_55 : i1 to i32
    %sign3A_57 = arith.subi %sign3A_53, %sign3A_56 : i32
    %ne3A = arith.cmpi ne, %sign3A_50, %sign3A_57 : i32
    %rem3A = arith.remsi %min3A_34, %jit3A : i32
    %ne3A_58 = arith.constant 0 : i32
    %ne3A_59 = arith.cmpi ne, %rem3A, %ne3A_58 : i32
    %and3A = arith.andi %ne3A, %ne3A_59 : i1
    %sub3A_60 = arith.constant 1 : i32
    %sub3A_61 = arith.subi %div3A, %sub3A_60 : i32
    %select_n3A = arith.select %and3A, %sub3A_61, %div3A : i32
    %add3A_62 = arith.constant 1 : i32
    %add3A_63 = arith.addi %select_n3A, %add3A_62 : i32
    %broadcast_in_dim3A_64 = arith.constant 0.000000e+00 : f32
    %broadcast_in_dim3A_65 = vector.broadcast %broadcast_in_dim3A_64 : f32 to vector<16xf32>
    %broadcast_in_dim3A_66 = arith.constant 0.000000e+00 : f32
    %broadcast_in_dim3A_67 = vector.broadcast %broadcast_in_dim3A_66 : f32 to vector<16xf32>
    %while3A_68 = arith.constant 0 : i32
    %while3A_69 = arith.subi %add3A_63, %while3A_68 : i32
    %while3A_70 = arith.addi %while3A_68, %while3A_69 : i32
    %while3A_71 = arith.constant 1 : i32
    %while3A_72 = arith.divsi %while3A_69, %while3A_71 : i32
    %while3A_73 = arith.muli %while3A_72, %while3A_71 : i32
    %while3A_74 = arith.addi %while3A_68, %while3A_73 : i32
    %while3A_75 = arith.constant 1 : i32
    %while3A_76:2 = scf.for %while3A_196 = %while3A_68 to %while3A_74 step %while3A_75 iter_args(%while3A_197 = %broadcast_in_dim3A_65, %while3A_198 = %broadcast_in_dim3A_67) -> (vector<16xf32>, vector<16xf32>)  : i32 {
      %mul3A_199 = arith.constant 16 : i32
      %mul3A_200 = arith.muli %while3A_196, %mul3A_199 : i32
      %add3A_201 = vector.broadcast %mul3A_200 : i32 to vector<16xi32>
      %add3A_202 = arith.addi %add3A_201, %iota3A : vector<16xi32>
      %mul3A_203 = arith.constant 16 : i32
      %mul3A_204 = arith.muli %while3A_196, %mul3A_203 : i32
      %get3A_205 = arith.index_cast %mul3A_204 : i32 to index
      %get3A_206 = tpu.vector_load %arg8[%get3A_205] {strides = array<i32>} : memref<512xf32, #tpu.memory_space<vmem>>, vector<16xf32>,
      %mul3A_207 = arith.constant 16 : i32
      %mul3A_208 = arith.muli %while3A_196, %mul3A_207 : i32
      %get3A_209 = arith.index_cast %mul3A_208 : i32 to index
      %get3A_210 = tpu.vector_load %arg9[%get3A_209] {strides = array<i32>} : memref<512xf32, #tpu.memory_space<vmem>>, vector<16xf32>,
      %lt3A_211 = vector.broadcast %min3A_34 : i32 to vector<16xi32>
      %lt3A_212 = arith.cmpi slt, %add3A_202, %lt3A_211 : vector<16xi32>
      %eq3A_213 = vector.broadcast %min3A_34 : i32 to vector<16xi32>
      %eq3A_214 = arith.cmpi eq, %add3A_202, %eq3A_213 : vector<16xi32>
      %jit3A_215 = arith.constant 0.000000e+00 : f32
      %broadcast_in_dim3A_216 = vector.broadcast %jit3A_215 : f32 to vector<16xf32>
      %select_n3A_217 = arith.select %eq3A_214, %add3A, %broadcast_in_dim3A_216 : vector<16xi1>, vector<16xf32>
      %select_n3A_218 = arith.select %lt3A_212, %get3A_206, %select_n3A_217 : vector<16xi1>, vector<16xf32>
      %mul3A_219 = arith.mulf %select_n3A_218, %get3A_210 : vector<16xf32>
      %mul3A_220 = arith.constant 16 : i32
      %mul3A_221 = arith.muli %while3A_196, %mul3A_220 : i32
      %swap3A = arith.index_cast %mul3A_221 : i32 to index
      %swap3A_222 = tpu.vector_load %arg11[%swap3A] {strides = array<i32>} : memref<512xf32, #tpu.memory_space<vmem>>, vector<16xf32>,
      tpu.vector_store %arg11[%swap3A], %mul3A_219 {strides = array<i32>} : memref<512xf32, #tpu.memory_space<vmem>>, vector<16xf32>,
      %add3A_223 = arith.addf %while3A_197, %mul3A_219 : vector<16xf32>
      %add3A_224 = arith.constant 1 : i32
      %add3A_225 = vector.broadcast %add3A_224 : i32 to vector<16xi32>
      %add3A_226 = arith.addi %add3A_202, %add3A_225 : vector<16xi32>
      %convert_element_type3A_227 = arith.sitofp %add3A_226 : vector<16xi32> to vector<16xf32>
      %mul3A_228 = arith.mulf %mul3A_219, %convert_element_type3A_227 : vector<16xf32>
      %add3A_229 = arith.addf %while3A_198, %mul3A_228 : vector<16xf32>
      scf.yield %add3A_223, %add3A_229 : vector<16xf32>, vector<16xf32>
    }
    %while3A_77 = arith.constant 1 : i32
    %while3A_78:2 = scf.for %while3A_196 = %while3A_74 to %while3A_70 step %while3A_77 iter_args(%while3A_197 = %while3A_76#0, %while3A_198 = %while3A_76#1) -> (vector<16xf32>, vector<16xf32>)  : i32 {
      %mul3A_199 = arith.constant 16 : i32
      %mul3A_200 = arith.muli %while3A_196, %mul3A_199 : i32
      %add3A_201 = vector.broadcast %mul3A_200 : i32 to vector<16xi32>
      %add3A_202 = arith.addi %add3A_201, %iota3A : vector<16xi32>
      %mul3A_203 = arith.constant 16 : i32
      %mul3A_204 = arith.muli %while3A_196, %mul3A_203 : i32
      %get3A_205 = arith.index_cast %mul3A_204 : i32 to index
      %get3A_206 = tpu.vector_load %arg8[%get3A_205] {strides = array<i32>} : memref<512xf32, #tpu.memory_space<vmem>>, vector<16xf32>,
      %mul3A_207 = arith.constant 16 : i32
      %mul3A_208 = arith.muli %while3A_196, %mul3A_207 : i32
      %get3A_209 = arith.index_cast %mul3A_208 : i32 to index
      %get3A_210 = tpu.vector_load %arg9[%get3A_209] {strides = array<i32>} : memref<512xf32, #tpu.memory_space<vmem>>, vector<16xf32>,
      %lt3A_211 = vector.broadcast %min3A_34 : i32 to vector<16xi32>
      %lt3A_212 = arith.cmpi slt, %add3A_202, %lt3A_211 : vector<16xi32>
      %eq3A_213 = vector.broadcast %min3A_34 : i32 to vector<16xi32>
      %eq3A_214 = arith.cmpi eq, %add3A_202, %eq3A_213 : vector<16xi32>
      %jit3A_215 = arith.constant 0.000000e+00 : f32
      %broadcast_in_dim3A_216 = vector.broadcast %jit3A_215 : f32 to vector<16xf32>
      %select_n3A_217 = arith.select %eq3A_214, %add3A, %broadcast_in_dim3A_216 : vector<16xi1>, vector<16xf32>
      %select_n3A_218 = arith.select %lt3A_212, %get3A_206, %select_n3A_217 : vector<16xi1>, vector<16xf32>
      %mul3A_219 = arith.mulf %select_n3A_218, %get3A_210 : vector<16xf32>
      %mul3A_220 = arith.constant 16 : i32
      %mul3A_221 = arith.muli %while3A_196, %mul3A_220 : i32
      %swap3A = arith.index_cast %mul3A_221 : i32 to index
      %swap3A_222 = tpu.vector_load %arg11[%swap3A] {strides = array<i32>} : memref<512xf32, #tpu.memory_space<vmem>>, vector<16xf32>,
      tpu.vector_store %arg11[%swap3A], %mul3A_219 {strides = array<i32>} : memref<512xf32, #tpu.memory_space<vmem>>, vector<16xf32>,
      %add3A_223 = arith.addf %while3A_197, %mul3A_219 : vector<16xf32>
      %add3A_224 = arith.constant 1 : i32
      %add3A_225 = vector.broadcast %add3A_224 : i32 to vector<16xi32>
      %add3A_226 = arith.addi %add3A_202, %add3A_225 : vector<16xi32>
      %convert_element_type3A_227 = arith.sitofp %add3A_226 : vector<16xi32> to vector<16xf32>
      %mul3A_228 = arith.mulf %mul3A_219, %convert_element_type3A_227 : vector<16xf32>
      %add3A_229 = arith.addf %while3A_198, %mul3A_228 : vector<16xf32>
      scf.yield %add3A_223, %add3A_229 : vector<16xf32>, vector<16xf32>
    }
    %reduce_sum3A = arith.constant true
    %reduce_sum3A_79 = vector.broadcast %reduce_sum3A : i1 to vector<16xi1>
    %reduce_sum3A_80 = tpu.scan <sum>, %while3A_78#0 masked %reduce_sum3A_79 : vector<16xf32>, vector<16xi1> -> vector<16xf32>
    %reduce_sum3A_81 = vector.extract %reduce_sum3A_80[15] : f32 from vector<16xf32>
    %max3A = arith.constant 0.00999999977 : f32
    %max3A_82 = arith.maximumf %reduce_sum3A_81, %max3A : f32
    %broadcast_in_dim3A_83 = vector.broadcast %max3A_82 : f32 to vector<16xf32>
    %div3A_84 = arith.constant 1.000000e+00 : f32
    %div3A_85 = vector.broadcast %div3A_84 : f32 to vector<16xf32>
    %div3A_86 = arith.divf %div3A_85, %broadcast_in_dim3A_83 : vector<16xf32>
    %dma_wait3A_87 = arith.constant 0 : i32
    %dma_wait3A_88 = tpu.memref_slice %arg4[%arg1, %dma_wait3A_87, %mul3A_0] : memref<16x512x4096xf32, #tpu.memory_space<hbm>> -> memref<1x8x2048xf32, #tpu.memory_space<hbm>>
    %dma_wait3A_89 = tpu.memref_squeeze %dma_wait3A_88 : memref<1x8x2048xf32, #tpu.memory_space<hbm>> -> memref<8x2048xf32, #tpu.memory_space<hbm>>
    %dma_wait3A_90 = arith.constant 0 : i32
    %dma_wait3A_91 = tpu.memref_slice %arg4[%arg1, %dma_wait3A_90, %mul3A_0] : memref<16x512x4096xf32, #tpu.memory_space<hbm>> -> memref<1x8x2048xf32, #tpu.memory_space<hbm>>
    %dma_wait3A_92 = tpu.memref_squeeze %dma_wait3A_91 : memref<1x8x2048xf32, #tpu.memory_space<hbm>> -> memref<8x2048xf32, #tpu.memory_space<hbm>>
    tpu.wait_dma2 semaphore(%arg17 : memref<!tpu.dma_semaphore, #tpu.memory_space<semaphore_mem>>) src(%dma_wait3A_92 : memref<8x2048xf32, #tpu.memory_space<hbm>>) dst(%arg12 : memref<8x2048xf32, #tpu.memory_space<vmem>>)
    %get3A = arith.constant 0 : index
    %get3A_93 = tpu.vector_load %arg11[%get3A] {strides = array<i32>} : memref<512xf32, #tpu.memory_space<vmem>>, vector<16xf32>,
    %mul3A_94 = arith.mulf %get3A_93, %div3A_86 : vector<16xf32>
    %broadcast_in_dim3A_95 = arith.constant 0 : i32
    %broadcast_in_dim3A_96 = vector.broadcast %broadcast_in_dim3A_95 : i32 to vector<16xi32>
    %broadcast_in_dim3A_97 = vector.shape_cast %broadcast_in_dim3A_96 : vector<16xi32> to vector<16x1xi32>
    %gather3A_98 = vector.shape_cast %broadcast_in_dim3A_97 : vector<16x1xi32> to vector<16xi32>
    %gather3A_99 = tpu.dynamic_gather %mul3A_94[%gather3A_98] in [0] : vector<16xf32>, vector<16xi32> -> vector<16xf32>
    %broadcast_in_dim3A_100 = arith.constant 1 : i32
    %broadcast_in_dim3A_101 = vector.broadcast %broadcast_in_dim3A_100 : i32 to vector<16xi32>
    %broadcast_in_dim3A_102 = vector.shape_cast %broadcast_in_dim3A_101 : vector<16xi32> to vector<16x1xi32>
    %gather3A_103 = vector.shape_cast %broadcast_in_dim3A_102 : vector<16x1xi32> to vector<16xi32>
    %gather3A_104 = tpu.dynamic_gather %mul3A_94[%gather3A_103] in [0] : vector<16xf32>, vector<16xi32> -> vector<16xf32>
    %broadcast_in_dim3A_105 = arith.constant 2 : i32
    %broadcast_in_dim3A_106 = vector.broadcast %broadcast_in_dim3A_105 : i32 to vector<16xi32>
    %broadcast_in_dim3A_107 = vector.shape_cast %broadcast_in_dim3A_106 : vector<16xi32> to vector<16x1xi32>
    %gather3A_108 = vector.shape_cast %broadcast_in_dim3A_107 : vector<16x1xi32> to vector<16xi32>
    %gather3A_109 = tpu.dynamic_gather %mul3A_94[%gather3A_108] in [0] : vector<16xf32>, vector<16xi32> -> vector<16xf32>
    %broadcast_in_dim3A_110 = arith.constant 3 : i32
    %broadcast_in_dim3A_111 = vector.broadcast %broadcast_in_dim3A_110 : i32 to vector<16xi32>
    %broadcast_in_dim3A_112 = vector.shape_cast %broadcast_in_dim3A_111 : vector<16xi32> to vector<16x1xi32>
    %gather3A_113 = vector.shape_cast %broadcast_in_dim3A_112 : vector<16x1xi32> to vector<16xi32>
    %gather3A_114 = tpu.dynamic_gather %mul3A_94[%gather3A_113] in [0] : vector<16xf32>, vector<16xi32> -> vector<16xf32>
    %broadcast_in_dim3A_115 = arith.constant 4 : i32
    %broadcast_in_dim3A_116 = vector.broadcast %broadcast_in_dim3A_115 : i32 to vector<16xi32>
    %broadcast_in_dim3A_117 = vector.shape_cast %broadcast_in_dim3A_116 : vector<16xi32> to vector<16x1xi32>
    %gather3A_118 = vector.shape_cast %broadcast_in_dim3A_117 : vector<16x1xi32> to vector<16xi32>
    %gather3A_119 = tpu.dynamic_gather %mul3A_94[%gather3A_118] in [0] : vector<16xf32>, vector<16xi32> -> vector<16xf32>
    %broadcast_in_dim3A_120 = arith.constant 5 : i32
    %broadcast_in_dim3A_121 = vector.broadcast %broadcast_in_dim3A_120 : i32 to vector<16xi32>
    %broadcast_in_dim3A_122 = vector.shape_cast %broadcast_in_dim3A_121 : vector<16xi32> to vector<16x1xi32>
    %gather3A_123 = vector.shape_cast %broadcast_in_dim3A_122 : vector<16x1xi32> to vector<16xi32>
    %gather3A_124 = tpu.dynamic_gather %mul3A_94[%gather3A_123] in [0] : vector<16xf32>, vector<16xi32> -> vector<16xf32>
    %broadcast_in_dim3A_125 = arith.constant 6 : i32
    %broadcast_in_dim3A_126 = vector.broadcast %broadcast_in_dim3A_125 : i32 to vector<16xi32>
    %broadcast_in_dim3A_127 = vector.shape_cast %broadcast_in_dim3A_126 : vector<16xi32> to vector<16x1xi32>
    %gather3A_128 = vector.shape_cast %broadcast_in_dim3A_127 : vector<16x1xi32> to vector<16xi32>
    %gather3A_129 = tpu.dynamic_gather %mul3A_94[%gather3A_128] in [0] : vector<16xf32>, vector<16xi32> -> vector<16xf32>
    %broadcast_in_dim3A_130 = arith.constant 7 : i32
    %broadcast_in_dim3A_131 = vector.broadcast %broadcast_in_dim3A_130 : i32 to vector<16xi32>
    %broadcast_in_dim3A_132 = vector.shape_cast %broadcast_in_dim3A_131 : vector<16xi32> to vector<16x1xi32>
    %gather3A_133 = vector.shape_cast %broadcast_in_dim3A_132 : vector<16x1xi32> to vector<16xi32>
    %gather3A_134 = tpu.dynamic_gather %mul3A_94[%gather3A_133] in [0] : vector<16xf32>, vector<16xi32> -> vector<16xf32>
    %lt3A = arith.constant 4 : i32
    %lt3A_135 = arith.cmpi slt, %min3A_34, %lt3A : i32
    %convert_element_type3A = arith.extui %lt3A_135 : i1 to i32
    %cond3A = arith.constant 0 : i32
    %cond3A_136 = arith.cmpi ne, %convert_element_type3A, %cond3A : i32
    scf.if %cond3A_136 {
      %parallel_loop3A = arith.constant 0 : i32
      %parallel_loop3A_196 = arith.constant 128 : i32
      %parallel_loop3A_197 = arith.constant 1 : i32
      scf.for %parallel_loop3A_198 = %parallel_loop3A to %parallel_loop3A_196 step %parallel_loop3A_197  : i32 {
        %parallel_loop3A_199 = arith.constant 16 : i32
        %parallel_loop3A_200 = arith.muli %parallel_loop3A_198, %parallel_loop3A_199 : i32
        %parallel_loop3A_201 = arith.constant 0 : i32
        %parallel_loop3A_202 = arith.index_cast %parallel_loop3A_201 : i32 to index
        %parallel_loop3A_203 = arith.index_cast %parallel_loop3A_200 : i32 to index
        %parallel_loop3A_204 = tpu.vector_load %arg12[%parallel_loop3A_202, %parallel_loop3A_203] {strides = array<i32>} : memref<8x2048xf32, #tpu.memory_space<vmem>>, vector<16xf32>,
        %parallel_loop3A_205 = arith.mulf %gather3A_99, %parallel_loop3A_204 : vector<16xf32>
        %parallel_loop3A_206 = arith.constant 1 : i32
        %parallel_loop3A_207 = arith.index_cast %parallel_loop3A_206 : i32 to index
        %parallel_loop3A_208 = arith.index_cast %parallel_loop3A_200 : i32 to index
        %parallel_loop3A_209 = tpu.vector_load %arg12[%parallel_loop3A_207, %parallel_loop3A_208] {strides = array<i32>} : memref<8x2048xf32, #tpu.memory_space<vmem>>, vector<16xf32>,
        %parallel_loop3A_210 = arith.mulf %gather3A_104, %parallel_loop3A_209 : vector<16xf32>
        %parallel_loop3A_211 = arith.addf %parallel_loop3A_205, %parallel_loop3A_210 : vector<16xf32>
        %parallel_loop3A_212 = arith.constant 2 : i32
        %parallel_loop3A_213 = arith.index_cast %parallel_loop3A_212 : i32 to index
        %parallel_loop3A_214 = arith.index_cast %parallel_loop3A_200 : i32 to index
        %parallel_loop3A_215 = tpu.vector_load %arg12[%parallel_loop3A_213, %parallel_loop3A_214] {strides = array<i32>} : memref<8x2048xf32, #tpu.memory_space<vmem>>, vector<16xf32>,
        %parallel_loop3A_216 = arith.mulf %gather3A_109, %parallel_loop3A_215 : vector<16xf32>
        %parallel_loop3A_217 = arith.addf %parallel_loop3A_211, %parallel_loop3A_216 : vector<16xf32>
        %parallel_loop3A_218 = arith.constant 3 : i32
        %parallel_loop3A_219 = arith.index_cast %parallel_loop3A_218 : i32 to index
        %parallel_loop3A_220 = arith.index_cast %parallel_loop3A_200 : i32 to index
        %parallel_loop3A_221 = tpu.vector_load %arg12[%parallel_loop3A_219, %parallel_loop3A_220] {strides = array<i32>} : memref<8x2048xf32, #tpu.memory_space<vmem>>, vector<16xf32>,
        %parallel_loop3A_222 = arith.mulf %gather3A_114, %parallel_loop3A_221 : vector<16xf32>
        %parallel_loop3A_223 = arith.addf %parallel_loop3A_217, %parallel_loop3A_222 : vector<16xf32>
        %parallel_loop3A_224 = arith.index_cast %parallel_loop3A_200 : i32 to index
        %parallel_loop3A_225 = tpu.vector_load %arg13[%parallel_loop3A_224] {strides = array<i32>} : memref<2048xf32, #tpu.memory_space<vmem>>, vector<16xf32>,
        tpu.vector_store %arg13[%parallel_loop3A_224], %parallel_loop3A_223 {strides = array<i32>} : memref<2048xf32, #tpu.memory_space<vmem>>, vector<16xf32>,
      } {sc.loop_unroll_factor = 4 : i64, sc.parallel_access}
    } else {
    }
    %ge3A = arith.constant 4 : i32
    %ge3A_137 = arith.cmpi sge, %min3A_34, %ge3A : i32
    %convert_element_type3A_138 = arith.extui %ge3A_137 : i1 to i32
    %cond3A_139 = arith.constant 0 : i32
    %cond3A_140 = arith.cmpi ne, %convert_element_type3A_138, %cond3A_139 : i32
    scf.if %cond3A_140 {
      %parallel_loop3A = arith.constant 0 : i32
      %parallel_loop3A_196 = arith.constant 128 : i32
      %parallel_loop3A_197 = arith.constant 1 : i32
      scf.for %parallel_loop3A_198 = %parallel_loop3A to %parallel_loop3A_196 step %parallel_loop3A_197  : i32 {
        %parallel_loop3A_199 = arith.constant 16 : i32
        %parallel_loop3A_200 = arith.muli %parallel_loop3A_198, %parallel_loop3A_199 : i32
        %parallel_loop3A_201 = arith.constant 0 : i32
        %parallel_loop3A_202 = arith.index_cast %parallel_loop3A_201 : i32 to index
        %parallel_loop3A_203 = arith.index_cast %parallel_loop3A_200 : i32 to index
        %parallel_loop3A_204 = tpu.vector_load %arg12[%parallel_loop3A_202, %parallel_loop3A_203] {strides = array<i32>} : memref<8x2048xf32, #tpu.memory_space<vmem>>, vector<16xf32>,
        %parallel_loop3A_205 = arith.mulf %gather3A_99, %parallel_loop3A_204 : vector<16xf32>
        %parallel_loop3A_206 = arith.constant 1 : i32
        %parallel_loop3A_207 = arith.index_cast %parallel_loop3A_206 : i32 to index
        %parallel_loop3A_208 = arith.index_cast %parallel_loop3A_200 : i32 to index
        %parallel_loop3A_209 = tpu.vector_load %arg12[%parallel_loop3A_207, %parallel_loop3A_208] {strides = array<i32>} : memref<8x2048xf32, #tpu.memory_space<vmem>>, vector<16xf32>,
        %parallel_loop3A_210 = arith.mulf %gather3A_104, %parallel_loop3A_209 : vector<16xf32>
        %parallel_loop3A_211 = arith.addf %parallel_loop3A_205, %parallel_loop3A_210 : vector<16xf32>
        %parallel_loop3A_212 = arith.constant 2 : i32
        %parallel_loop3A_213 = arith.index_cast %parallel_loop3A_212 : i32 to index
        %parallel_loop3A_214 = arith.index_cast %parallel_loop3A_200 : i32 to index
        %parallel_loop3A_215 = tpu.vector_load %arg12[%parallel_loop3A_213, %parallel_loop3A_214] {strides = array<i32>} : memref<8x2048xf32, #tpu.memory_space<vmem>>, vector<16xf32>,
        %parallel_loop3A_216 = arith.mulf %gather3A_109, %parallel_loop3A_215 : vector<16xf32>
        %parallel_loop3A_217 = arith.addf %parallel_loop3A_211, %parallel_loop3A_216 : vector<16xf32>
        %parallel_loop3A_218 = arith.constant 3 : i32
        %parallel_loop3A_219 = arith.index_cast %parallel_loop3A_218 : i32 to index
        %parallel_loop3A_220 = arith.index_cast %parallel_loop3A_200 : i32 to index
        %parallel_loop3A_221 = tpu.vector_load %arg12[%parallel_loop3A_219, %parallel_loop3A_220] {strides = array<i32>} : memref<8x2048xf32, #tpu.memory_space<vmem>>, vector<16xf32>,
        %parallel_loop3A_222 = arith.mulf %gather3A_114, %parallel_loop3A_221 : vector<16xf32>
        %parallel_loop3A_223 = arith.addf %parallel_loop3A_217, %parallel_loop3A_222 : vector<16xf32>
        %parallel_loop3A_224 = arith.constant 4 : i32
        %parallel_loop3A_225 = arith.index_cast %parallel_loop3A_224 : i32 to index
        %parallel_loop3A_226 = arith.index_cast %parallel_loop3A_200 : i32 to index
        %parallel_loop3A_227 = tpu.vector_load %arg12[%parallel_loop3A_225, %parallel_loop3A_226] {strides = array<i32>} : memref<8x2048xf32, #tpu.memory_space<vmem>>, vector<16xf32>,
        %parallel_loop3A_228 = arith.mulf %gather3A_119, %parallel_loop3A_227 : vector<16xf32>
        %parallel_loop3A_229 = arith.addf %parallel_loop3A_223, %parallel_loop3A_228 : vector<16xf32>
        %parallel_loop3A_230 = arith.constant 5 : i32
        %parallel_loop3A_231 = arith.index_cast %parallel_loop3A_230 : i32 to index
        %parallel_loop3A_232 = arith.index_cast %parallel_loop3A_200 : i32 to index
        %parallel_loop3A_233 = tpu.vector_load %arg12[%parallel_loop3A_231, %parallel_loop3A_232] {strides = array<i32>} : memref<8x2048xf32, #tpu.memory_space<vmem>>, vector<16xf32>,
        %parallel_loop3A_234 = arith.mulf %gather3A_124, %parallel_loop3A_233 : vector<16xf32>
        %parallel_loop3A_235 = arith.addf %parallel_loop3A_229, %parallel_loop3A_234 : vector<16xf32>
        %parallel_loop3A_236 = arith.constant 6 : i32
        %parallel_loop3A_237 = arith.index_cast %parallel_loop3A_236 : i32 to index
        %parallel_loop3A_238 = arith.index_cast %parallel_loop3A_200 : i32 to index
        %parallel_loop3A_239 = tpu.vector_load %arg12[%parallel_loop3A_237, %parallel_loop3A_238] {strides = array<i32>} : memref<8x2048xf32, #tpu.memory_space<vmem>>, vector<16xf32>,
        %parallel_loop3A_240 = arith.mulf %gather3A_129, %parallel_loop3A_239 : vector<16xf32>
        %parallel_loop3A_241 = arith.addf %parallel_loop3A_235, %parallel_loop3A_240 : vector<16xf32>
        %parallel_loop3A_242 = arith.constant 7 : i32
        %parallel_loop3A_243 = arith.index_cast %parallel_loop3A_242 : i32 to index
        %parallel_loop3A_244 = arith.index_cast %parallel_loop3A_200 : i32 to index
        %parallel_loop3A_245 = tpu.vector_load %arg12[%parallel_loop3A_243, %parallel_loop3A_244] {strides = array<i32>} : memref<8x2048xf32, #tpu.memory_space<vmem>>, vector<16xf32>,
        %parallel_loop3A_246 = arith.mulf %gather3A_134, %parallel_loop3A_245 : vector<16xf32>
        %parallel_loop3A_247 = arith.addf %parallel_loop3A_241, %parallel_loop3A_246 : vector<16xf32>
        %parallel_loop3A_248 = arith.index_cast %parallel_loop3A_200 : i32 to index
        %parallel_loop3A_249 = tpu.vector_load %arg13[%parallel_loop3A_248] {strides = array<i32>} : memref<2048xf32, #tpu.memory_space<vmem>>, vector<16xf32>,
        tpu.vector_store %arg13[%parallel_loop3A_248], %parallel_loop3A_247 {strides = array<i32>} : memref<2048xf32, #tpu.memory_space<vmem>>, vector<16xf32>,
      } {sc.loop_unroll_factor = 4 : i64, sc.parallel_access}
    } else {
    }
    %jit3A_141 = arith.constant 8 : i32
    %div3A_142 = arith.divsi %min3A_34, %jit3A_141 : i32
    %sign3A_143 = arith.constant 0 : i32
    %sign3A_144 = arith.cmpi sgt, %min3A_34, %sign3A_143 : i32
    %sign3A_145 = arith.extui %sign3A_144 : i1 to i32
    %sign3A_146 = arith.constant 0 : i32
    %sign3A_147 = arith.cmpi slt, %min3A_34, %sign3A_146 : i32
    %sign3A_148 = arith.extui %sign3A_147 : i1 to i32
    %sign3A_149 = arith.subi %sign3A_145, %sign3A_148 : i32
    %sign3A_150 = arith.constant 0 : i32
    %sign3A_151 = arith.cmpi sgt, %jit3A_141, %sign3A_150 : i32
    %sign3A_152 = arith.extui %sign3A_151 : i1 to i32
    %sign3A_153 = arith.constant 0 : i32
    %sign3A_154 = arith.cmpi slt, %jit3A_141, %sign3A_153 : i32
    %sign3A_155 = arith.extui %sign3A_154 : i1 to i32
    %sign3A_156 = arith.subi %sign3A_152, %sign3A_155 : i32
    %ne3A_157 = arith.cmpi ne, %sign3A_149, %sign3A_156 : i32
    %rem3A_158 = arith.remsi %min3A_34, %jit3A_141 : i32
    %ne3A_159 = arith.constant 0 : i32
    %ne3A_160 = arith.cmpi ne, %rem3A_158, %ne3A_159 : i32
    %and3A_161 = arith.andi %ne3A_157, %ne3A_160 : i1
    %sub3A_162 = arith.constant 1 : i32
    %sub3A_163 = arith.subi %div3A_142, %sub3A_162 : i32
    %select_n3A_164 = arith.select %and3A_161, %sub3A_163, %div3A_142 : i32
    %add3A_165 = arith.constant 1 : i32
    %add3A_166 = arith.addi %select_n3A_164, %add3A_165 : i32
    %while3A_167 = arith.constant 1 : i32
    %while3A_168 = arith.constant 0 : i32
    %while3A_169 = arith.subi %add3A_166, %while3A_167 : i32
    %while3A_170 = arith.addi %while3A_167, %while3A_169 : i32
    %while3A_171 = arith.constant 1 : i32
    %while3A_172 = arith.divsi %while3A_169, %while3A_171 : i32
    %while3A_173 = arith.muli %while3A_172, %while3A_171 : i32
    %while3A_174 = arith.addi %while3A_167, %while3A_173 : i32
    %while3A_175 = arith.constant 1 : i32
    %while3A_176 = scf.for %while3A_196 = %while3A_167 to %while3A_174 step %while3A_175 iter_args(%while3A_197 = %while3A_168) -> (i32)  : i32 {
      %mul3A_198 = arith.constant 8 : i32
      %mul3A_199 = arith.muli %while3A_196, %mul3A_198 : i32
      "tpu.region"() ({
        %run_scoped3A = tpu.sem_alloc : memref<!tpu.dma_semaphore, #tpu.memory_space<semaphore_mem>>
        %dma_start3A_298 = tpu.memref_slice %arg4[%arg1, %mul3A_199, %mul3A_0] : memref<16x512x4096xf32, #tpu.memory_space<hbm>> -> memref<1x8x2048xf32, #tpu.memory_space<hbm>>
        %dma_start3A_299 = tpu.memref_squeeze %dma_start3A_298 : memref<1x8x2048xf32, #tpu.memory_space<hbm>> -> memref<8x2048xf32, #tpu.memory_space<hbm>>
        %dma_start3A_300 = tpu.memref_slice %arg4[%arg1, %mul3A_199, %mul3A_0] : memref<16x512x4096xf32, #tpu.memory_space<hbm>> -> memref<1x8x2048xf32, #tpu.memory_space<hbm>>
        %dma_start3A_301 = tpu.memref_squeeze %dma_start3A_300 : memref<1x8x2048xf32, #tpu.memory_space<hbm>> -> memref<8x2048xf32, #tpu.memory_space<hbm>>
        tpu.enqueue_dma source(%dma_start3A_301 : memref<8x2048xf32, #tpu.memory_space<hbm>>) target(%arg12 : memref<8x2048xf32, #tpu.memory_space<vmem>>) target_semaphore(%run_scoped3A : memref<!tpu.dma_semaphore, #tpu.memory_space<semaphore_mem>>)
        %dma_wait3A_302 = tpu.memref_slice %arg4[%arg1, %mul3A_199, %mul3A_0] : memref<16x512x4096xf32, #tpu.memory_space<hbm>> -> memref<1x8x2048xf32, #tpu.memory_space<hbm>>
        %dma_wait3A_303 = tpu.memref_squeeze %dma_wait3A_302 : memref<1x8x2048xf32, #tpu.memory_space<hbm>> -> memref<8x2048xf32, #tpu.memory_space<hbm>>
        %dma_wait3A_304 = tpu.memref_slice %arg4[%arg1, %mul3A_199, %mul3A_0] : memref<16x512x4096xf32, #tpu.memory_space<hbm>> -> memref<1x8x2048xf32, #tpu.memory_space<hbm>>
        %dma_wait3A_305 = tpu.memref_squeeze %dma_wait3A_304 : memref<1x8x2048xf32, #tpu.memory_space<hbm>> -> memref<8x2048xf32, #tpu.memory_space<hbm>>
        tpu.wait_dma2 semaphore(%run_scoped3A : memref<!tpu.dma_semaphore, #tpu.memory_space<semaphore_mem>>) src(%dma_wait3A_305 : memref<8x2048xf32, #tpu.memory_space<hbm>>) dst(%arg12 : memref<8x2048xf32, #tpu.memory_space<vmem>>)
        tpu.yield
      }) : () -> ()
      %jit3A_200 = arith.constant 2 : i32
      %div3A_201 = arith.divsi %while3A_196, %jit3A_200 : i32
      %sign3A_202 = arith.constant 0 : i32
      %sign3A_203 = arith.cmpi sgt, %while3A_196, %sign3A_202 : i32
      %sign3A_204 = arith.extui %sign3A_203 : i1 to i32
      %sign3A_205 = arith.constant 0 : i32
      %sign3A_206 = arith.cmpi slt, %while3A_196, %sign3A_205 : i32
      %sign3A_207 = arith.extui %sign3A_206 : i1 to i32
      %sign3A_208 = arith.subi %sign3A_204, %sign3A_207 : i32
      %sign3A_209 = arith.constant 0 : i32
      %sign3A_210 = arith.cmpi sgt, %jit3A_200, %sign3A_209 : i32
      %sign3A_211 = arith.extui %sign3A_210 : i1 to i32
      %sign3A_212 = arith.constant 0 : i32
      %sign3A_213 = arith.cmpi slt, %jit3A_200, %sign3A_212 : i32
      %sign3A_214 = arith.extui %sign3A_213 : i1 to i32
      %sign3A_215 = arith.subi %sign3A_211, %sign3A_214 : i32
      %ne3A_216 = arith.cmpi ne, %sign3A_208, %sign3A_215 : i32
      %rem3A_217 = arith.remsi %while3A_196, %jit3A_200 : i32
      %ne3A_218 = arith.constant 0 : i32
      %ne3A_219 = arith.cmpi ne, %rem3A_217, %ne3A_218 : i32
      %and3A_220 = arith.andi %ne3A_216, %ne3A_219 : i1
      %sub3A_221 = arith.constant 1 : i32
      %sub3A_222 = arith.subi %div3A_201, %sub3A_221 : i32
      %select_n3A_223 = arith.select %and3A_220, %sub3A_222, %div3A_201 : i32
      %mul3A_224 = arith.constant 16 : i32
      %mul3A_225 = arith.muli %select_n3A_223, %mul3A_224 : i32
      %get3A_226 = arith.index_cast %mul3A_225 : i32 to index
      %get3A_227 = tpu.vector_load %arg11[%get3A_226] {strides = array<i32>} : memref<512xf32, #tpu.memory_space<vmem>>, vector<16xf32>,
      %mul3A_228 = arith.mulf %get3A_227, %div3A_86 : vector<16xf32>
      %jit3A_229 = arith.constant 2 : i32
      %eq3A_230 = arith.constant 0 : i32
      %eq3A_231 = arith.cmpi eq, %jit3A_229, %eq3A_230 : i32
      %jit3A_232 = arith.constant 1 : i32
      %select_n3A_233 = arith.select %eq3A_231, %jit3A_232, %jit3A_229 : i32
      %rem3A_234 = arith.remsi %while3A_196, %select_n3A_233 : i32
      %ne3A_235 = arith.constant 0 : i32
      %ne3A_236 = arith.cmpi ne, %rem3A_234, %ne3A_235 : i32
      %lt3A_237 = arith.constant 0 : i32
      %lt3A_238 = arith.cmpi slt, %rem3A_234, %lt3A_237 : i32
      %lt3A_239 = arith.constant 0 : i32
      %lt3A_240 = arith.cmpi slt, %select_n3A_233, %lt3A_239 : i32
      %ne3A_241 = arith.xori %lt3A_238, %lt3A_240 : i1
      %and3A_242 = arith.andi %ne3A_241, %ne3A_236 : i1
      %add3A_243 = arith.addi %rem3A_234, %select_n3A_233 : i32
      %select_n3A_244 = arith.select %and3A_242, %add3A_243, %rem3A_234 : i32
      %mul3A_245 = arith.constant 8 : i32
      %mul3A_246 = arith.muli %select_n3A_244, %mul3A_245 : i32
      %add3A_247 = arith.constant 0 : i32
      %add3A_248 = arith.addi %mul3A_246, %add3A_247 : i32
      %broadcast_in_dim3A_249 = vector.broadcast %add3A_248 : i32 to vector<16xi32>
      %broadcast_in_dim3A_250 = vector.shape_cast %broadcast_in_dim3A_249 : vector<16xi32> to vector<16x1xi32>
      %gather3A_251 = vector.shape_cast %broadcast_in_dim3A_250 : vector<16x1xi32> to vector<16xi32>
      %gather3A_252 = tpu.dynamic_gather %mul3A_228[%gather3A_251] in [0] : vector<16xf32>, vector<16xi32> -> vector<16xf32>
      %add3A_253 = arith.constant 1 : i32
      %add3A_254 = arith.addi %mul3A_246, %add3A_253 : i32
      %broadcast_in_dim3A_255 = vector.broadcast %add3A_254 : i32 to vector<16xi32>
      %broadcast_in_dim3A_256 = vector.shape_cast %broadcast_in_dim3A_255 : vector<16xi32> to vector<16x1xi32>
      %gather3A_257 = vector.shape_cast %broadcast_in_dim3A_256 : vector<16x1xi32> to vector<16xi32>
      %gather3A_258 = tpu.dynamic_gather %mul3A_228[%gather3A_257] in [0] : vector<16xf32>, vector<16xi32> -> vector<16xf32>
      %add3A_259 = arith.constant 2 : i32
      %add3A_260 = arith.addi %mul3A_246, %add3A_259 : i32
      %broadcast_in_dim3A_261 = vector.broadcast %add3A_260 : i32 to vector<16xi32>
      %broadcast_in_dim3A_262 = vector.shape_cast %broadcast_in_dim3A_261 : vector<16xi32> to vector<16x1xi32>
      %gather3A_263 = vector.shape_cast %broadcast_in_dim3A_262 : vector<16x1xi32> to vector<16xi32>
      %gather3A_264 = tpu.dynamic_gather %mul3A_228[%gather3A_263] in [0] : vector<16xf32>, vector<16xi32> -> vector<16xf32>
      %add3A_265 = arith.constant 3 : i32
      %add3A_266 = arith.addi %mul3A_246, %add3A_265 : i32
      %broadcast_in_dim3A_267 = vector.broadcast %add3A_266 : i32 to vector<16xi32>
      %broadcast_in_dim3A_268 = vector.shape_cast %broadcast_in_dim3A_267 : vector<16xi32> to vector<16x1xi32>
      %gather3A_269 = vector.shape_cast %broadcast_in_dim3A_268 : vector<16x1xi32> to vector<16xi32>
      %gather3A_270 = tpu.dynamic_gather %mul3A_228[%gather3A_269] in [0] : vector<16xf32>, vector<16xi32> -> vector<16xf32>
      %add3A_271 = arith.constant 4 : i32
      %add3A_272 = arith.addi %mul3A_246, %add3A_271 : i32
      %broadcast_in_dim3A_273 = vector.broadcast %add3A_272 : i32 to vector<16xi32>
      %broadcast_in_dim3A_274 = vector.shape_cast %broadcast_in_dim3A_273 : vector<16xi32> to vector<16x1xi32>
      %gather3A_275 = vector.shape_cast %broadcast_in_dim3A_274 : vector<16x1xi32> to vector<16xi32>
      %gather3A_276 = tpu.dynamic_gather %mul3A_228[%gather3A_275] in [0] : vector<16xf32>, vector<16xi32> -> vector<16xf32>
      %add3A_277 = arith.constant 5 : i32
      %add3A_278 = arith.addi %mul3A_246, %add3A_277 : i32
      %broadcast_in_dim3A_279 = vector.broadcast %add3A_278 : i32 to vector<16xi32>
      %broadcast_in_dim3A_280 = vector.shape_cast %broadcast_in_dim3A_279 : vector<16xi32> to vector<16x1xi32>
      %gather3A_281 = vector.shape_cast %broadcast_in_dim3A_280 : vector<16x1xi32> to vector<16xi32>
      %gather3A_282 = tpu.dynamic_gather %mul3A_228[%gather3A_281] in [0] : vector<16xf32>, vector<16xi32> -> vector<16xf32>
      %add3A_283 = arith.constant 6 : i32
      %add3A_284 = arith.addi %mul3A_246, %add3A_283 : i32
      %broadcast_in_dim3A_285 = vector.broadcast %add3A_284 : i32 to vector<16xi32>
      %broadcast_in_dim3A_286 = vector.shape_cast %broadcast_in_dim3A_285 : vector<16xi32> to vector<16x1xi32>
      %gather3A_287 = vector.shape_cast %broadcast_in_dim3A_286 : vector<16x1xi32> to vector<16xi32>
      %gather3A_288 = tpu.dynamic_gather %mul3A_228[%gather3A_287] in [0] : vector<16xf32>, vector<16xi32> -> vector<16xf32>
      %add3A_289 = arith.constant 7 : i32
      %add3A_290 = arith.addi %mul3A_246, %add3A_289 : i32
      %broadcast_in_dim3A_291 = vector.broadcast %add3A_290 : i32 to vector<16xi32>
      %broadcast_in_dim3A_292 = vector.shape_cast %broadcast_in_dim3A_291 : vector<16xi32> to vector<16x1xi32>
      %gather3A_293 = vector.shape_cast %broadcast_in_dim3A_292 : vector<16x1xi32> to vector<16xi32>
      %gather3A_294 = tpu.dynamic_gather %mul3A_228[%gather3A_293] in [0] : vector<16xf32>, vector<16xi32> -> vector<16xf32>
      %parallel_loop3A = arith.constant 0 : i32
      %parallel_loop3A_295 = arith.constant 128 : i32
      %parallel_loop3A_296 = arith.constant 1 : i32
      scf.for %parallel_loop3A_298 = %parallel_loop3A to %parallel_loop3A_295 step %parallel_loop3A_296  : i32 {
        %parallel_loop3A_299 = arith.constant 16 : i32
        %parallel_loop3A_300 = arith.muli %parallel_loop3A_298, %parallel_loop3A_299 : i32
        %parallel_loop3A_301 = arith.index_cast %parallel_loop3A_300 : i32 to index
        %parallel_loop3A_302 = tpu.vector_load %arg13[%parallel_loop3A_301] {strides = array<i32>} : memref<2048xf32, #tpu.memory_space<vmem>>, vector<16xf32>,
        %parallel_loop3A_303 = arith.constant 0 : i32
        %parallel_loop3A_304 = arith.index_cast %parallel_loop3A_303 : i32 to index
        %parallel_loop3A_305 = arith.index_cast %parallel_loop3A_300 : i32 to index
        %parallel_loop3A_306 = tpu.vector_load %arg12[%parallel_loop3A_304, %parallel_loop3A_305] {strides = array<i32>} : memref<8x2048xf32, #tpu.memory_space<vmem>>, vector<16xf32>,
        %parallel_loop3A_307 = arith.mulf %gather3A_252, %parallel_loop3A_306 : vector<16xf32>
        %parallel_loop3A_308 = arith.addf %parallel_loop3A_302, %parallel_loop3A_307 : vector<16xf32>
        %parallel_loop3A_309 = arith.constant 1 : i32
        %parallel_loop3A_310 = arith.index_cast %parallel_loop3A_309 : i32 to index
        %parallel_loop3A_311 = arith.index_cast %parallel_loop3A_300 : i32 to index
        %parallel_loop3A_312 = tpu.vector_load %arg12[%parallel_loop3A_310, %parallel_loop3A_311] {strides = array<i32>} : memref<8x2048xf32, #tpu.memory_space<vmem>>, vector<16xf32>,
        %parallel_loop3A_313 = arith.mulf %gather3A_258, %parallel_loop3A_312 : vector<16xf32>
        %parallel_loop3A_314 = arith.addf %parallel_loop3A_308, %parallel_loop3A_313 : vector<16xf32>
        %parallel_loop3A_315 = arith.constant 2 : i32
        %parallel_loop3A_316 = arith.index_cast %parallel_loop3A_315 : i32 to index
        %parallel_loop3A_317 = arith.index_cast %parallel_loop3A_300 : i32 to index
        %parallel_loop3A_318 = tpu.vector_load %arg12[%parallel_loop3A_316, %parallel_loop3A_317] {strides = array<i32>} : memref<8x2048xf32, #tpu.memory_space<vmem>>, vector<16xf32>,
        %parallel_loop3A_319 = arith.mulf %gather3A_264, %parallel_loop3A_318 : vector<16xf32>
        %parallel_loop3A_320 = arith.addf %parallel_loop3A_314, %parallel_loop3A_319 : vector<16xf32>
        %parallel_loop3A_321 = arith.constant 3 : i32
        %parallel_loop3A_322 = arith.index_cast %parallel_loop3A_321 : i32 to index
        %parallel_loop3A_323 = arith.index_cast %parallel_loop3A_300 : i32 to index
        %parallel_loop3A_324 = tpu.vector_load %arg12[%parallel_loop3A_322, %parallel_loop3A_323] {strides = array<i32>} : memref<8x2048xf32, #tpu.memory_space<vmem>>, vector<16xf32>,
        %parallel_loop3A_325 = arith.mulf %gather3A_270, %parallel_loop3A_324 : vector<16xf32>
        %parallel_loop3A_326 = arith.addf %parallel_loop3A_320, %parallel_loop3A_325 : vector<16xf32>
        %parallel_loop3A_327 = arith.constant 4 : i32
        %parallel_loop3A_328 = arith.index_cast %parallel_loop3A_327 : i32 to index
        %parallel_loop3A_329 = arith.index_cast %parallel_loop3A_300 : i32 to index
        %parallel_loop3A_330 = tpu.vector_load %arg12[%parallel_loop3A_328, %parallel_loop3A_329] {strides = array<i32>} : memref<8x2048xf32, #tpu.memory_space<vmem>>, vector<16xf32>,
        %parallel_loop3A_331 = arith.mulf %gather3A_276, %parallel_loop3A_330 : vector<16xf32>
        %parallel_loop3A_332 = arith.addf %parallel_loop3A_326, %parallel_loop3A_331 : vector<16xf32>
        %parallel_loop3A_333 = arith.constant 5 : i32
        %parallel_loop3A_334 = arith.index_cast %parallel_loop3A_333 : i32 to index
        %parallel_loop3A_335 = arith.index_cast %parallel_loop3A_300 : i32 to index
        %parallel_loop3A_336 = tpu.vector_load %arg12[%parallel_loop3A_334, %parallel_loop3A_335] {strides = array<i32>} : memref<8x2048xf32, #tpu.memory_space<vmem>>, vector<16xf32>,
        %parallel_loop3A_337 = arith.mulf %gather3A_282, %parallel_loop3A_336 : vector<16xf32>
        %parallel_loop3A_338 = arith.addf %parallel_loop3A_332, %parallel_loop3A_337 : vector<16xf32>
        %parallel_loop3A_339 = arith.constant 6 : i32
        %parallel_loop3A_340 = arith.index_cast %parallel_loop3A_339 : i32 to index
        %parallel_loop3A_341 = arith.index_cast %parallel_loop3A_300 : i32 to index
        %parallel_loop3A_342 = tpu.vector_load %arg12[%parallel_loop3A_340, %parallel_loop3A_341] {strides = array<i32>} : memref<8x2048xf32, #tpu.memory_space<vmem>>, vector<16xf32>,
        %parallel_loop3A_343 = arith.mulf %gather3A_288, %parallel_loop3A_342 : vector<16xf32>
        %parallel_loop3A_344 = arith.addf %parallel_loop3A_338, %parallel_loop3A_343 : vector<16xf32>
        %parallel_loop3A_345 = arith.constant 7 : i32
        %parallel_loop3A_346 = arith.index_cast %parallel_loop3A_345 : i32 to index
        %parallel_loop3A_347 = arith.index_cast %parallel_loop3A_300 : i32 to index
        %parallel_loop3A_348 = tpu.vector_load %arg12[%parallel_loop3A_346, %parallel_loop3A_347] {strides = array<i32>} : memref<8x2048xf32, #tpu.memory_space<vmem>>, vector<16xf32>,
        %parallel_loop3A_349 = arith.mulf %gather3A_294, %parallel_loop3A_348 : vector<16xf32>
        %parallel_loop3A_350 = arith.addf %parallel_loop3A_344, %parallel_loop3A_349 : vector<16xf32>
        %parallel_loop3A_351 = arith.index_cast %parallel_loop3A_300 : i32 to index
        %parallel_loop3A_352 = tpu.vector_load %arg13[%parallel_loop3A_351] {strides = array<i32>} : memref<2048xf32, #tpu.memory_space<vmem>>, vector<16xf32>,
        tpu.vector_store %arg13[%parallel_loop3A_351], %parallel_loop3A_350 {strides = array<i32>} : memref<2048xf32, #tpu.memory_space<vmem>>, vector<16xf32>,
      } {sc.loop_unroll_factor = 2 : i64, sc.parallel_access}
      %while3A_297 = arith.constant 0 : i32
      scf.yield %while3A_297 : i32
    }
    %while3A_177 = arith.constant 1 : i32
    %while3A_178 = scf.for %while3A_196 = %while3A_174 to %while3A_170 step %while3A_177 iter_args(%while3A_197 = %while3A_176) -> (i32)  : i32 {
      %mul3A_198 = arith.constant 8 : i32
      %mul3A_199 = arith.muli %while3A_196, %mul3A_198 : i32
      "tpu.region"() ({
        %run_scoped3A = tpu.sem_alloc : memref<!tpu.dma_semaphore, #tpu.memory_space<semaphore_mem>>
        %dma_start3A_298 = tpu.memref_slice %arg4[%arg1, %mul3A_199, %mul3A_0] : memref<16x512x4096xf32, #tpu.memory_space<hbm>> -> memref<1x8x2048xf32, #tpu.memory_space<hbm>>
        %dma_start3A_299 = tpu.memref_squeeze %dma_start3A_298 : memref<1x8x2048xf32, #tpu.memory_space<hbm>> -> memref<8x2048xf32, #tpu.memory_space<hbm>>
        %dma_start3A_300 = tpu.memref_slice %arg4[%arg1, %mul3A_199, %mul3A_0] : memref<16x512x4096xf32, #tpu.memory_space<hbm>> -> memref<1x8x2048xf32, #tpu.memory_space<hbm>>
        %dma_start3A_301 = tpu.memref_squeeze %dma_start3A_300 : memref<1x8x2048xf32, #tpu.memory_space<hbm>> -> memref<8x2048xf32, #tpu.memory_space<hbm>>
        tpu.enqueue_dma source(%dma_start3A_301 : memref<8x2048xf32, #tpu.memory_space<hbm>>) target(%arg12 : memref<8x2048xf32, #tpu.memory_space<vmem>>) target_semaphore(%run_scoped3A : memref<!tpu.dma_semaphore, #tpu.memory_space<semaphore_mem>>)
        %dma_wait3A_302 = tpu.memref_slice %arg4[%arg1, %mul3A_199, %mul3A_0] : memref<16x512x4096xf32, #tpu.memory_space<hbm>> -> memref<1x8x2048xf32, #tpu.memory_space<hbm>>
        %dma_wait3A_303 = tpu.memref_squeeze %dma_wait3A_302 : memref<1x8x2048xf32, #tpu.memory_space<hbm>> -> memref<8x2048xf32, #tpu.memory_space<hbm>>
        %dma_wait3A_304 = tpu.memref_slice %arg4[%arg1, %mul3A_199, %mul3A_0] : memref<16x512x4096xf32, #tpu.memory_space<hbm>> -> memref<1x8x2048xf32, #tpu.memory_space<hbm>>
        %dma_wait3A_305 = tpu.memref_squeeze %dma_wait3A_304 : memref<1x8x2048xf32, #tpu.memory_space<hbm>> -> memref<8x2048xf32, #tpu.memory_space<hbm>>
        tpu.wait_dma2 semaphore(%run_scoped3A : memref<!tpu.dma_semaphore, #tpu.memory_space<semaphore_mem>>) src(%dma_wait3A_305 : memref<8x2048xf32, #tpu.memory_space<hbm>>) dst(%arg12 : memref<8x2048xf32, #tpu.memory_space<vmem>>)
        tpu.yield
      }) : () -> ()
      %jit3A_200 = arith.constant 2 : i32
      %div3A_201 = arith.divsi %while3A_196, %jit3A_200 : i32
      %sign3A_202 = arith.constant 0 : i32
      %sign3A_203 = arith.cmpi sgt, %while3A_196, %sign3A_202 : i32
      %sign3A_204 = arith.extui %sign3A_203 : i1 to i32
      %sign3A_205 = arith.constant 0 : i32
      %sign3A_206 = arith.cmpi slt, %while3A_196, %sign3A_205 : i32
      %sign3A_207 = arith.extui %sign3A_206 : i1 to i32
      %sign3A_208 = arith.subi %sign3A_204, %sign3A_207 : i32
      %sign3A_209 = arith.constant 0 : i32
      %sign3A_210 = arith.cmpi sgt, %jit3A_200, %sign3A_209 : i32
      %sign3A_211 = arith.extui %sign3A_210 : i1 to i32
      %sign3A_212 = arith.constant 0 : i32
      %sign3A_213 = arith.cmpi slt, %jit3A_200, %sign3A_212 : i32
      %sign3A_214 = arith.extui %sign3A_213 : i1 to i32
      %sign3A_215 = arith.subi %sign3A_211, %sign3A_214 : i32
      %ne3A_216 = arith.cmpi ne, %sign3A_208, %sign3A_215 : i32
      %rem3A_217 = arith.remsi %while3A_196, %jit3A_200 : i32
      %ne3A_218 = arith.constant 0 : i32
      %ne3A_219 = arith.cmpi ne, %rem3A_217, %ne3A_218 : i32
      %and3A_220 = arith.andi %ne3A_216, %ne3A_219 : i1
      %sub3A_221 = arith.constant 1 : i32
      %sub3A_222 = arith.subi %div3A_201, %sub3A_221 : i32
      %select_n3A_223 = arith.select %and3A_220, %sub3A_222, %div3A_201 : i32
      %mul3A_224 = arith.constant 16 : i32
      %mul3A_225 = arith.muli %select_n3A_223, %mul3A_224 : i32
      %get3A_226 = arith.index_cast %mul3A_225 : i32 to index
      %get3A_227 = tpu.vector_load %arg11[%get3A_226] {strides = array<i32>} : memref<512xf32, #tpu.memory_space<vmem>>, vector<16xf32>,
      %mul3A_228 = arith.mulf %get3A_227, %div3A_86 : vector<16xf32>
      %jit3A_229 = arith.constant 2 : i32
      %eq3A_230 = arith.constant 0 : i32
      %eq3A_231 = arith.cmpi eq, %jit3A_229, %eq3A_230 : i32
      %jit3A_232 = arith.constant 1 : i32
      %select_n3A_233 = arith.select %eq3A_231, %jit3A_232, %jit3A_229 : i32
      %rem3A_234 = arith.remsi %while3A_196, %select_n3A_233 : i32
      %ne3A_235 = arith.constant 0 : i32
      %ne3A_236 = arith.cmpi ne, %rem3A_234, %ne3A_235 : i32
      %lt3A_237 = arith.constant 0 : i32
      %lt3A_238 = arith.cmpi slt, %rem3A_234, %lt3A_237 : i32
      %lt3A_239 = arith.constant 0 : i32
      %lt3A_240 = arith.cmpi slt, %select_n3A_233, %lt3A_239 : i32
      %ne3A_241 = arith.xori %lt3A_238, %lt3A_240 : i1
      %and3A_242 = arith.andi %ne3A_241, %ne3A_236 : i1
      %add3A_243 = arith.addi %rem3A_234, %select_n3A_233 : i32
      %select_n3A_244 = arith.select %and3A_242, %add3A_243, %rem3A_234 : i32
      %mul3A_245 = arith.constant 8 : i32
      %mul3A_246 = arith.muli %select_n3A_244, %mul3A_245 : i32
      %add3A_247 = arith.constant 0 : i32
      %add3A_248 = arith.addi %mul3A_246, %add3A_247 : i32
      %broadcast_in_dim3A_249 = vector.broadcast %add3A_248 : i32 to vector<16xi32>
      %broadcast_in_dim3A_250 = vector.shape_cast %broadcast_in_dim3A_249 : vector<16xi32> to vector<16x1xi32>
      %gather3A_251 = vector.shape_cast %broadcast_in_dim3A_250 : vector<16x1xi32> to vector<16xi32>
      %gather3A_252 = tpu.dynamic_gather %mul3A_228[%gather3A_251] in [0] : vector<16xf32>, vector<16xi32> -> vector<16xf32>
      %add3A_253 = arith.constant 1 : i32
      %add3A_254 = arith.addi %mul3A_246, %add3A_253 : i32
      %broadcast_in_dim3A_255 = vector.broadcast %add3A_254 : i32 to vector<16xi32>
      %broadcast_in_dim3A_256 = vector.shape_cast %broadcast_in_dim3A_255 : vector<16xi32> to vector<16x1xi32>
      %gather3A_257 = vector.shape_cast %broadcast_in_dim3A_256 : vector<16x1xi32> to vector<16xi32>
      %gather3A_258 = tpu.dynamic_gather %mul3A_228[%gather3A_257] in [0] : vector<16xf32>, vector<16xi32> -> vector<16xf32>
      %add3A_259 = arith.constant 2 : i32
      %add3A_260 = arith.addi %mul3A_246, %add3A_259 : i32
      %broadcast_in_dim3A_261 = vector.broadcast %add3A_260 : i32 to vector<16xi32>
      %broadcast_in_dim3A_262 = vector.shape_cast %broadcast_in_dim3A_261 : vector<16xi32> to vector<16x1xi32>
      %gather3A_263 = vector.shape_cast %broadcast_in_dim3A_262 : vector<16x1xi32> to vector<16xi32>
      %gather3A_264 = tpu.dynamic_gather %mul3A_228[%gather3A_263] in [0] : vector<16xf32>, vector<16xi32> -> vector<16xf32>
      %add3A_265 = arith.constant 3 : i32
      %add3A_266 = arith.addi %mul3A_246, %add3A_265 : i32
      %broadcast_in_dim3A_267 = vector.broadcast %add3A_266 : i32 to vector<16xi32>
      %broadcast_in_dim3A_268 = vector.shape_cast %broadcast_in_dim3A_267 : vector<16xi32> to vector<16x1xi32>
      %gather3A_269 = vector.shape_cast %broadcast_in_dim3A_268 : vector<16x1xi32> to vector<16xi32>
      %gather3A_270 = tpu.dynamic_gather %mul3A_228[%gather3A_269] in [0] : vector<16xf32>, vector<16xi32> -> vector<16xf32>
      %add3A_271 = arith.constant 4 : i32
      %add3A_272 = arith.addi %mul3A_246, %add3A_271 : i32
      %broadcast_in_dim3A_273 = vector.broadcast %add3A_272 : i32 to vector<16xi32>
      %broadcast_in_dim3A_274 = vector.shape_cast %broadcast_in_dim3A_273 : vector<16xi32> to vector<16x1xi32>
      %gather3A_275 = vector.shape_cast %broadcast_in_dim3A_274 : vector<16x1xi32> to vector<16xi32>
      %gather3A_276 = tpu.dynamic_gather %mul3A_228[%gather3A_275] in [0] : vector<16xf32>, vector<16xi32> -> vector<16xf32>
      %add3A_277 = arith.constant 5 : i32
      %add3A_278 = arith.addi %mul3A_246, %add3A_277 : i32
      %broadcast_in_dim3A_279 = vector.broadcast %add3A_278 : i32 to vector<16xi32>
      %broadcast_in_dim3A_280 = vector.shape_cast %broadcast_in_dim3A_279 : vector<16xi32> to vector<16x1xi32>
      %gather3A_281 = vector.shape_cast %broadcast_in_dim3A_280 : vector<16x1xi32> to vector<16xi32>
      %gather3A_282 = tpu.dynamic_gather %mul3A_228[%gather3A_281] in [0] : vector<16xf32>, vector<16xi32> -> vector<16xf32>
      %add3A_283 = arith.constant 6 : i32
      %add3A_284 = arith.addi %mul3A_246, %add3A_283 : i32
      %broadcast_in_dim3A_285 = vector.broadcast %add3A_284 : i32 to vector<16xi32>
      %broadcast_in_dim3A_286 = vector.shape_cast %broadcast_in_dim3A_285 : vector<16xi32> to vector<16x1xi32>
      %gather3A_287 = vector.shape_cast %broadcast_in_dim3A_286 : vector<16x1xi32> to vector<16xi32>
      %gather3A_288 = tpu.dynamic_gather %mul3A_228[%gather3A_287] in [0] : vector<16xf32>, vector<16xi32> -> vector<16xf32>
      %add3A_289 = arith.constant 7 : i32
      %add3A_290 = arith.addi %mul3A_246, %add3A_289 : i32
      %broadcast_in_dim3A_291 = vector.broadcast %add3A_290 : i32 to vector<16xi32>
      %broadcast_in_dim3A_292 = vector.shape_cast %broadcast_in_dim3A_291 : vector<16xi32> to vector<16x1xi32>
      %gather3A_293 = vector.shape_cast %broadcast_in_dim3A_292 : vector<16x1xi32> to vector<16xi32>
      %gather3A_294 = tpu.dynamic_gather %mul3A_228[%gather3A_293] in [0] : vector<16xf32>, vector<16xi32> -> vector<16xf32>
      %parallel_loop3A = arith.constant 0 : i32
      %parallel_loop3A_295 = arith.constant 128 : i32
      %parallel_loop3A_296 = arith.constant 1 : i32
      scf.for %parallel_loop3A_298 = %parallel_loop3A to %parallel_loop3A_295 step %parallel_loop3A_296  : i32 {
        %parallel_loop3A_299 = arith.constant 16 : i32
        %parallel_loop3A_300 = arith.muli %parallel_loop3A_298, %parallel_loop3A_299 : i32
        %parallel_loop3A_301 = arith.index_cast %parallel_loop3A_300 : i32 to index
        %parallel_loop3A_302 = tpu.vector_load %arg13[%parallel_loop3A_301] {strides = array<i32>} : memref<2048xf32, #tpu.memory_space<vmem>>, vector<16xf32>,
        %parallel_loop3A_303 = arith.constant 0 : i32
        %parallel_loop3A_304 = arith.index_cast %parallel_loop3A_303 : i32 to index
        %parallel_loop3A_305 = arith.index_cast %parallel_loop3A_300 : i32 to index
        %parallel_loop3A_306 = tpu.vector_load %arg12[%parallel_loop3A_304, %parallel_loop3A_305] {strides = array<i32>} : memref<8x2048xf32, #tpu.memory_space<vmem>>, vector<16xf32>,
        %parallel_loop3A_307 = arith.mulf %gather3A_252, %parallel_loop3A_306 : vector<16xf32>
        %parallel_loop3A_308 = arith.addf %parallel_loop3A_302, %parallel_loop3A_307 : vector<16xf32>
        %parallel_loop3A_309 = arith.constant 1 : i32
        %parallel_loop3A_310 = arith.index_cast %parallel_loop3A_309 : i32 to index
        %parallel_loop3A_311 = arith.index_cast %parallel_loop3A_300 : i32 to index
        %parallel_loop3A_312 = tpu.vector_load %arg12[%parallel_loop3A_310, %parallel_loop3A_311] {strides = array<i32>} : memref<8x2048xf32, #tpu.memory_space<vmem>>, vector<16xf32>,
        %parallel_loop3A_313 = arith.mulf %gather3A_258, %parallel_loop3A_312 : vector<16xf32>
        %parallel_loop3A_314 = arith.addf %parallel_loop3A_308, %parallel_loop3A_313 : vector<16xf32>
        %parallel_loop3A_315 = arith.constant 2 : i32
        %parallel_loop3A_316 = arith.index_cast %parallel_loop3A_315 : i32 to index
        %parallel_loop3A_317 = arith.index_cast %parallel_loop3A_300 : i32 to index
        %parallel_loop3A_318 = tpu.vector_load %arg12[%parallel_loop3A_316, %parallel_loop3A_317] {strides = array<i32>} : memref<8x2048xf32, #tpu.memory_space<vmem>>, vector<16xf32>,
        %parallel_loop3A_319 = arith.mulf %gather3A_264, %parallel_loop3A_318 : vector<16xf32>
        %parallel_loop3A_320 = arith.addf %parallel_loop3A_314, %parallel_loop3A_319 : vector<16xf32>
        %parallel_loop3A_321 = arith.constant 3 : i32
        %parallel_loop3A_322 = arith.index_cast %parallel_loop3A_321 : i32 to index
        %parallel_loop3A_323 = arith.index_cast %parallel_loop3A_300 : i32 to index
        %parallel_loop3A_324 = tpu.vector_load %arg12[%parallel_loop3A_322, %parallel_loop3A_323] {strides = array<i32>} : memref<8x2048xf32, #tpu.memory_space<vmem>>, vector<16xf32>,
        %parallel_loop3A_325 = arith.mulf %gather3A_270, %parallel_loop3A_324 : vector<16xf32>
        %parallel_loop3A_326 = arith.addf %parallel_loop3A_320, %parallel_loop3A_325 : vector<16xf32>
        %parallel_loop3A_327 = arith.constant 4 : i32
        %parallel_loop3A_328 = arith.index_cast %parallel_loop3A_327 : i32 to index
        %parallel_loop3A_329 = arith.index_cast %parallel_loop3A_300 : i32 to index
        %parallel_loop3A_330 = tpu.vector_load %arg12[%parallel_loop3A_328, %parallel_loop3A_329] {strides = array<i32>} : memref<8x2048xf32, #tpu.memory_space<vmem>>, vector<16xf32>,
        %parallel_loop3A_331 = arith.mulf %gather3A_276, %parallel_loop3A_330 : vector<16xf32>
        %parallel_loop3A_332 = arith.addf %parallel_loop3A_326, %parallel_loop3A_331 : vector<16xf32>
        %parallel_loop3A_333 = arith.constant 5 : i32
        %parallel_loop3A_334 = arith.index_cast %parallel_loop3A_333 : i32 to index
        %parallel_loop3A_335 = arith.index_cast %parallel_loop3A_300 : i32 to index
        %parallel_loop3A_336 = tpu.vector_load %arg12[%parallel_loop3A_334, %parallel_loop3A_335] {strides = array<i32>} : memref<8x2048xf32, #tpu.memory_space<vmem>>, vector<16xf32>,
        %parallel_loop3A_337 = arith.mulf %gather3A_282, %parallel_loop3A_336 : vector<16xf32>
        %parallel_loop3A_338 = arith.addf %parallel_loop3A_332, %parallel_loop3A_337 : vector<16xf32>
        %parallel_loop3A_339 = arith.constant 6 : i32
        %parallel_loop3A_340 = arith.index_cast %parallel_loop3A_339 : i32 to index
        %parallel_loop3A_341 = arith.index_cast %parallel_loop3A_300 : i32 to index
        %parallel_loop3A_342 = tpu.vector_load %arg12[%parallel_loop3A_340, %parallel_loop3A_341] {strides = array<i32>} : memref<8x2048xf32, #tpu.memory_space<vmem>>, vector<16xf32>,
        %parallel_loop3A_343 = arith.mulf %gather3A_288, %parallel_loop3A_342 : vector<16xf32>
        %parallel_loop3A_344 = arith.addf %parallel_loop3A_338, %parallel_loop3A_343 : vector<16xf32>
        %parallel_loop3A_345 = arith.constant 7 : i32
        %parallel_loop3A_346 = arith.index_cast %parallel_loop3A_345 : i32 to index
        %parallel_loop3A_347 = arith.index_cast %parallel_loop3A_300 : i32 to index
        %parallel_loop3A_348 = tpu.vector_load %arg12[%parallel_loop3A_346, %parallel_loop3A_347] {strides = array<i32>} : memref<8x2048xf32, #tpu.memory_space<vmem>>, vector<16xf32>,
        %parallel_loop3A_349 = arith.mulf %gather3A_294, %parallel_loop3A_348 : vector<16xf32>
        %parallel_loop3A_350 = arith.addf %parallel_loop3A_344, %parallel_loop3A_349 : vector<16xf32>
        %parallel_loop3A_351 = arith.index_cast %parallel_loop3A_300 : i32 to index
        %parallel_loop3A_352 = tpu.vector_load %arg13[%parallel_loop3A_351] {strides = array<i32>} : memref<2048xf32, #tpu.memory_space<vmem>>, vector<16xf32>,
        tpu.vector_store %arg13[%parallel_loop3A_351], %parallel_loop3A_350 {strides = array<i32>} : memref<2048xf32, #tpu.memory_space<vmem>>, vector<16xf32>,
      } {sc.loop_unroll_factor = 2 : i64, sc.parallel_access}
      %while3A_297 = arith.constant 0 : i32
      scf.yield %while3A_297 : i32
    }
    %dma_start3A_179 = tpu.memref_slice %arg5[%arg1, %mul3A_0] : memref<16x4096xf32, #tpu.memory_space<hbm>> -> memref<1x2048xf32, #tpu.memory_space<hbm>>
    %dma_start3A_180 = tpu.memref_squeeze %dma_start3A_179 : memref<1x2048xf32, #tpu.memory_space<hbm>> -> memref<2048xf32, #tpu.memory_space<hbm>>
    %dma_start3A_181 = tpu.memref_slice %arg5[%arg1, %mul3A_0] : memref<16x4096xf32, #tpu.memory_space<hbm>> -> memref<1x2048xf32, #tpu.memory_space<hbm>>
    %dma_start3A_182 = tpu.memref_squeeze %dma_start3A_181 : memref<1x2048xf32, #tpu.memory_space<hbm>> -> memref<2048xf32, #tpu.memory_space<hbm>>
    tpu.enqueue_dma source(%arg13 : memref<2048xf32, #tpu.memory_space<vmem>>) target(%dma_start3A_182 : memref<2048xf32, #tpu.memory_space<hbm>>) target_semaphore(%arg17 : memref<!tpu.dma_semaphore, #tpu.memory_space<semaphore_mem>>)
    %eq3A = arith.constant 1 : i32
    %eq3A_183 = arith.cmpi eq, %arg0, %eq3A : i32
    %convert_element_type3A_184 = arith.extui %eq3A_183 : i1 to i32
    %cond3A_185 = arith.constant 0 : i32
    %cond3A_186 = arith.cmpi ne, %convert_element_type3A_184, %cond3A_185 : i32
    scf.if %cond3A_186 {
      %while3A_196 = arith.constant 0 : i32
      %while3A_197 = arith.constant 0 : i32
      %while3A_198 = arith.subi %add3A_63, %while3A_196 : i32
      %while3A_199 = arith.addi %while3A_196, %while3A_198 : i32
      %while3A_200 = arith.constant 1 : i32
      %while3A_201 = arith.divsi %while3A_198, %while3A_200 : i32
      %while3A_202 = arith.muli %while3A_201, %while3A_200 : i32
      %while3A_203 = arith.addi %while3A_196, %while3A_202 : i32
      %while3A_204 = arith.constant 1 : i32
      %while3A_205 = scf.for %while3A_209 = %while3A_196 to %while3A_203 step %while3A_204 iter_args(%while3A_210 = %while3A_197) -> (i32)  : i32 {
        %mul3A_211 = arith.constant 16 : i32
        %mul3A_212 = arith.muli %while3A_209, %mul3A_211 : i32
        %get3A_213 = arith.index_cast %mul3A_212 : i32 to index
        %get3A_214 = tpu.vector_load %arg11[%get3A_213] {strides = array<i32>} : memref<512xf32, #tpu.memory_space<vmem>>, vector<16xf32>,
        %mul3A_215 = arith.mulf %get3A_214, %div3A_86 : vector<16xf32>
        %swap3A = arith.index_cast %mul3A_212 : i32 to index
        %swap3A_216 = tpu.vector_load %arg11[%swap3A] {strides = array<i32>} : memref<512xf32, #tpu.memory_space<vmem>>, vector<16xf32>,
        tpu.vector_store %arg11[%swap3A], %mul3A_215 {strides = array<i32>} : memref<512xf32, #tpu.memory_space<vmem>>, vector<16xf32>,
        %while3A_217 = arith.constant 0 : i32
        scf.yield %while3A_217 : i32
      }
      %while3A_206 = arith.constant 1 : i32
      %while3A_207 = scf.for %while3A_209 = %while3A_203 to %while3A_199 step %while3A_206 iter_args(%while3A_210 = %while3A_205) -> (i32)  : i32 {
        %mul3A_211 = arith.constant 16 : i32
        %mul3A_212 = arith.muli %while3A_209, %mul3A_211 : i32
        %get3A_213 = arith.index_cast %mul3A_212 : i32 to index
        %get3A_214 = tpu.vector_load %arg11[%get3A_213] {strides = array<i32>} : memref<512xf32, #tpu.memory_space<vmem>>, vector<16xf32>,
        %mul3A_215 = arith.mulf %get3A_214, %div3A_86 : vector<16xf32>
        %swap3A = arith.index_cast %mul3A_212 : i32 to index
        %swap3A_216 = tpu.vector_load %arg11[%swap3A] {strides = array<i32>} : memref<512xf32, #tpu.memory_space<vmem>>, vector<16xf32>,
        tpu.vector_store %arg11[%swap3A], %mul3A_215 {strides = array<i32>} : memref<512xf32, #tpu.memory_space<vmem>>, vector<16xf32>,
        %while3A_217 = arith.constant 0 : i32
        scf.yield %while3A_217 : i32
      }
      %parallel_loop3A = arith.constant 32 : i32
      %parallel_loop3A_208 = arith.constant 1 : i32
      scf.for %parallel_loop3A_209 = %add3A_63 to %parallel_loop3A step %parallel_loop3A_208  : i32 {
        %parallel_loop3A_210 = arith.constant 0.000000e+00 : f32
        %parallel_loop3A_211 = vector.broadcast %parallel_loop3A_210 : f32 to vector<16xf32>
        %parallel_loop3A_212 = arith.constant 16 : i32
        %parallel_loop3A_213 = arith.muli %parallel_loop3A_209, %parallel_loop3A_212 : i32
        %parallel_loop3A_214 = arith.index_cast %parallel_loop3A_213 : i32 to index
        %parallel_loop3A_215 = tpu.vector_load %arg11[%parallel_loop3A_214] {strides = array<i32>} : memref<512xf32, #tpu.memory_space<vmem>>, vector<16xf32>,
        tpu.vector_store %arg11[%parallel_loop3A_214], %parallel_loop3A_211 {strides = array<i32>} : memref<512xf32, #tpu.memory_space<vmem>>, vector<16xf32>,
      } {sc.loop_unroll_factor = 4 : i64, sc.parallel_access}
      "tpu.region"() ({
        %run_scoped3A = tpu.sem_alloc : memref<!tpu.dma_semaphore, #tpu.memory_space<semaphore_mem>>
        %dma_start3A_209 = arith.constant 0 : i32
        %dma_start3A_210 = tpu.memref_slice %arg7[%arg1, %dma_start3A_209] : memref<16x512xf32, #tpu.memory_space<hbm>> -> memref<1x512xf32, #tpu.memory_space<hbm>>
        %dma_start3A_211 = tpu.memref_squeeze %dma_start3A_210 : memref<1x512xf32, #tpu.memory_space<hbm>> -> memref<512xf32, #tpu.memory_space<hbm>>
        %dma_start3A_212 = arith.constant 0 : i32
        %dma_start3A_213 = tpu.memref_slice %arg7[%arg1, %dma_start3A_212] : memref<16x512xf32, #tpu.memory_space<hbm>> -> memref<1x512xf32, #tpu.memory_space<hbm>>
        %dma_start3A_214 = tpu.memref_squeeze %dma_start3A_213 : memref<1x512xf32, #tpu.memory_space<hbm>> -> memref<512xf32, #tpu.memory_space<hbm>>
        tpu.enqueue_dma source(%arg11 : memref<512xf32, #tpu.memory_space<vmem>>) target(%dma_start3A_214 : memref<512xf32, #tpu.memory_space<hbm>>) target_semaphore(%run_scoped3A : memref<!tpu.dma_semaphore, #tpu.memory_space<semaphore_mem>>)
        %dma_wait3A_215 = arith.constant 0 : i32
        %dma_wait3A_216 = tpu.memref_slice %arg7[%arg1, %dma_wait3A_215] : memref<16x512xf32, #tpu.memory_space<hbm>> -> memref<1x512xf32, #tpu.memory_space<hbm>>
        %dma_wait3A_217 = tpu.memref_squeeze %dma_wait3A_216 : memref<1x512xf32, #tpu.memory_space<hbm>> -> memref<512xf32, #tpu.memory_space<hbm>>
        %dma_wait3A_218 = arith.constant 0 : i32
        %dma_wait3A_219 = tpu.memref_slice %arg7[%arg1, %dma_wait3A_218] : memref<16x512xf32, #tpu.memory_space<hbm>> -> memref<1x512xf32, #tpu.memory_space<hbm>>
        %dma_wait3A_220 = tpu.memref_squeeze %dma_wait3A_219 : memref<1x512xf32, #tpu.memory_space<hbm>> -> memref<512xf32, #tpu.memory_space<hbm>>
        tpu.wait_dma2 semaphore(%run_scoped3A : memref<!tpu.dma_semaphore, #tpu.memory_space<semaphore_mem>>) src(%arg11 : memref<512xf32, #tpu.memory_space<vmem>>) dst(%dma_wait3A_220 : memref<512xf32, #tpu.memory_space<hbm>>)
        tpu.yield
      }) : () -> ()
    } else {
    }
    %eq3A_187 = arith.constant 0 : i32
    %eq3A_188 = arith.cmpi eq, %arg0, %eq3A_187 : i32
    %convert_element_type3A_189 = arith.extui %eq3A_188 : i1 to i32
    %cond3A_190 = arith.constant 0 : i32
    %cond3A_191 = arith.cmpi ne, %convert_element_type3A_189, %cond3A_190 : i32
    scf.if %cond3A_191 {
      %eq3A_196 = arith.constant 0 : i32
      %eq3A_197 = vector.broadcast %eq3A_196 : i32 to vector<16xi32>
      %eq3A_198 = arith.cmpi eq, %iota3A, %eq3A_197 : vector<16xi32>
      %reduce_sum3A_199 = arith.constant true
      %reduce_sum3A_200 = vector.broadcast %reduce_sum3A_199 : i1 to vector<16xi1>
      %reduce_sum3A_201 = tpu.scan <sum>, %while3A_78#1 masked %reduce_sum3A_200 : vector<16xf32>, vector<16xi1> -> vector<16xf32>
      %reduce_sum3A_202 = vector.extract %reduce_sum3A_201[15] : f32 from vector<16xf32>
      %broadcast_in_dim3A_203 = vector.broadcast %reduce_sum3A_202 : f32 to vector<16xf32>
      %mul3A_204 = arith.mulf %broadcast_in_dim3A_203, %div3A_86 : vector<16xf32>
      %jit3A_205 = arith.constant 0.000000e+00 : f32
      %broadcast_in_dim3A_206 = vector.broadcast %jit3A_205 : f32 to vector<16xf32>
      %select_n3A_207 = arith.select %eq3A_198, %mul3A_204, %broadcast_in_dim3A_206 : vector<16xi1>, vector<16xf32>
      %swap3A = arith.constant 0 : index
      %swap3A_208 = tpu.vector_load %arg14[%swap3A] {strides = array<i32>} : memref<16xf32, #tpu.memory_space<vmem>>, vector<16xf32>,
      tpu.vector_store %arg14[%swap3A], %select_n3A_207 {strides = array<i32>} : memref<16xf32, #tpu.memory_space<vmem>>, vector<16xf32>,
      "tpu.region"() ({
        %run_scoped3A = tpu.sem_alloc : memref<!tpu.dma_semaphore, #tpu.memory_space<semaphore_mem>>
        %dma_start3A_209 = arith.constant 0 : i32
        %dma_start3A_210 = tpu.memref_slice %arg6[%arg1, %dma_start3A_209] : memref<16x16xf32, #tpu.memory_space<hbm>> -> memref<1x16xf32, #tpu.memory_space<hbm>>
        %dma_start3A_211 = tpu.memref_squeeze %dma_start3A_210 : memref<1x16xf32, #tpu.memory_space<hbm>> -> memref<16xf32, #tpu.memory_space<hbm>>
        %dma_start3A_212 = arith.constant 0 : i32
        %dma_start3A_213 = tpu.memref_slice %arg6[%arg1, %dma_start3A_212] : memref<16x16xf32, #tpu.memory_space<hbm>> -> memref<1x16xf32, #tpu.memory_space<hbm>>
        %dma_start3A_214 = tpu.memref_squeeze %dma_start3A_213 : memref<1x16xf32, #tpu.memory_space<hbm>> -> memref<16xf32, #tpu.memory_space<hbm>>
        tpu.enqueue_dma source(%arg14 : memref<16xf32, #tpu.memory_space<vmem>>) target(%dma_start3A_214 : memref<16xf32, #tpu.memory_space<hbm>>) target_semaphore(%run_scoped3A : memref<!tpu.dma_semaphore, #tpu.memory_space<semaphore_mem>>)
        %dma_wait3A_215 = arith.constant 0 : i32
        %dma_wait3A_216 = tpu.memref_slice %arg6[%arg1, %dma_wait3A_215] : memref<16x16xf32, #tpu.memory_space<hbm>> -> memref<1x16xf32, #tpu.memory_space<hbm>>
        %dma_wait3A_217 = tpu.memref_squeeze %dma_wait3A_216 : memref<1x16xf32, #tpu.memory_space<hbm>> -> memref<16xf32, #tpu.memory_space<hbm>>
        %dma_wait3A_218 = arith.constant 0 : i32
        %dma_wait3A_219 = tpu.memref_slice %arg6[%arg1, %dma_wait3A_218] : memref<16x16xf32, #tpu.memory_space<hbm>> -> memref<1x16xf32, #tpu.memory_space<hbm>>
        %dma_wait3A_220 = tpu.memref_squeeze %dma_wait3A_219 : memref<1x16xf32, #tpu.memory_space<hbm>> -> memref<16xf32, #tpu.memory_space<hbm>>
        tpu.wait_dma2 semaphore(%run_scoped3A : memref<!tpu.dma_semaphore, #tpu.memory_space<semaphore_mem>>) src(%arg14 : memref<16xf32, #tpu.memory_space<vmem>>) dst(%dma_wait3A_220 : memref<16xf32, #tpu.memory_space<hbm>>)
        tpu.yield
      }) : () -> ()
    } else {
    }
    %dma_wait3A_192 = tpu.memref_slice %arg5[%arg1, %mul3A_0] : memref<16x4096xf32, #tpu.memory_space<hbm>> -> memref<1x2048xf32, #tpu.memory_space<hbm>>
    %dma_wait3A_193 = tpu.memref_squeeze %dma_wait3A_192 : memref<1x2048xf32, #tpu.memory_space<hbm>> -> memref<2048xf32, #tpu.memory_space<hbm>>
    %dma_wait3A_194 = tpu.memref_slice %arg5[%arg1, %mul3A_0] : memref<16x4096xf32, #tpu.memory_space<hbm>> -> memref<1x2048xf32, #tpu.memory_space<hbm>>
    %dma_wait3A_195 = tpu.memref_squeeze %dma_wait3A_194 : memref<1x2048xf32, #tpu.memory_space<hbm>> -> memref<2048xf32, #tpu.memory_space<hbm>>
    tpu.wait_dma2 semaphore(%arg17 : memref<!tpu.dma_semaphore, #tpu.memory_space<semaphore_mem>>) src(%arg13 : memref<2048xf32, #tpu.memory_space<vmem>>) dst(%dma_wait3A_195 : memref<2048xf32, #tpu.memory_space<hbm>>)
    return
  }
}

</mosaic_0001>

<sc_bundles>
// kernel: kernel.3.cloned.1.call-start
scs
__scs_entry_jumppad:
0x0: {  	(pc) =	sbr.rel $0x88, $3  }
0x1: {  	(tag) =	ssettag $0x0;
	lr =	simm.s32 $0x1  }
0x2: {  	[smem:$0x3F9E] =	sst lr;
	_ =	strace $0xD0000000  }
0x3: {  	_ = 	snop  }
0x4: {  	_ = 	snop  }
0x5: {  	_ = 	snop  }
0x6: {  	_ = 	snop  }
0x7: {  	_ = 	snop  }
__scs_overlays_trampoline_lowered:
0x8: {  	[smem:$0x3FAD] =	sst s0  }
0x9: {  	[smem:$0x3FAE] =	sst s1  }
0xa: {  	[smem:$0x3FAF] =	sst s2  }
0xb: {  	[smem:$0x3FB0] =	sst s3  }
0xc: {  	[smem:$0x3FB1] =	sst s4  }
0xd: {  	[smem:$0x3FB2] =	sst s5  }
0xe: {  	[smem:$0x3FB3] =	sst s6  }
0xf: {  	[smem:$0x3FB4] =	sst s7  }
0x10: {  	[smem:$0x3FB5] =	sst s8  }
0x11: {  	[smem:$0x3FB6] =	sst s9;
	s0 =	simm.s32 @!p0 $0x0  }
0x12: {  	s1 =	sld [smem:$0x3F9C];
	s0 =	simm.s32 @p0 $0x1  }
0x13: {  	[smem:$0x3FB7] =	sst s0;
	s0 =	simm.s32 @!p1 $0x0  }
0x14: {  	s2 =	sld [smem:$0x3F9B];
	s0 =	simm.s32 @p1 $0x1  }
0x15: {  	[smem:$0x3FB8] =	sst s0;
	s0 =	simm.s32 @!p2 $0x0  }
0x16: {  	s3 =	sld [smem:$0x3FDB];
	s0 =	simm.s32 @p2 $0x1  }
0x17: {  	s4 =	simm.s32 $0x1BF5;
	[smem:$0x3FBA] =	sst s0  }
0x18: {  	s0 =	sld [smem:$0x3F9D];
	_ =	swait.ge [sflag:s4], $0x0  }
0x19: {  	s7 =	sld [smem:$0x3F9E]  }
0x1a: {  	s8 =	sadd.s32 $0xFFFFE003, lr  }
0x1b: {  	s9 =	sadd.s32 $0xFFFFFEF7, lr;
	s5 =	simm.s32 $0xFFFFFFFF;
	p2 =	slt.u32 s8, $0xFFFFF086  }
0x1c: {  	p1 =	slt.u32 s9, $0xF7A;
	s5 =	simm.s32 @!p2 $0x0  }
0x1d: {  	s5 =	simm.s32 @p1 $0x1;
	p0 =	seq.s32 s7, s2  }
0x1e: {  	s7 =	smul.u32 @!p0 $0xF7A, s2;
	p2 =	seq.s32 @!p0 s5, $0x0  }
0x1f: {  	s9 =	smul.u32 $0xF7A, s1;
	s8 =	simm.s32 @!p0 $0x1BF5;
	p2 =	por !p2, p0  }
0x20: {  	[sflag:s8] =	ssyncset.s32 @!p0 $0xFFFFF086;
	s6 =	sadd.s32 @!p0 s3, s7;
	s7 =	simm.s32 @!p0 $0x108  }
0x21: {  	s3 =	sadd.s32 s3, s9;
	s6 =	sadd.s32 @!p0 $0x88, s6;
	s7 =	simm.s32 @p2 $0x1082  }
0x22: {  	[simem:s7], [sflag:s8] =	dma.local @!p0 [hbm:s6], $0xF7A  }
0x23: {  	s9 =	sor.u32 $0xD0000000, s2;
	s6 =	simm.s32 $0x108;
	_ =	swait.ge @!p0 [sflag:s8], $0x0  }
0x24: {  	s3 =	sadd.s32 $0x88, s3;
	s6 =	simm.s32 @!p1 $0x1082;
	[sflag:s4] =	ssyncset.s32 $0xFFFFF086  }
0x25: {  	[simem:s6], [sflag:s4] =	dma.local [hbm:s3], $0xF7A  }
0x26: {  	[smem:$0x3F9E] =	sst s1;
	(tag) =	ssettag s2;
	_ =	strace s9  }
0x27: {  	s1 =	sld [smem:$0x3FAE]  }
0x28: {  	s2 =	sld [smem:$0x3FAF]  }
0x29: {  	s4 =	sld [smem:$0x3FB1]  }
0x2a: {  	p0 =	seq.s32 s5, $0x0;
	s5 =	sld [smem:$0x3FB2]  }
0x2b: {  	s6 =	sld [smem:$0x3FB3]  }
0x2c: {  	s7 =	sld [smem:$0x3FB4]  }
0x2d: {  	s3 =	simm.s32 $0x108;
	s8 =	sld [smem:$0x3FB5]  }
0x2e: {  	s3 =	simm.s32 @!p0 $0x1082;
	s9 =	sld [smem:$0x3FB6]  }
0x2f: {  	lr =	sadd.s32 s0, s3;
	s0 =	sld [smem:$0x3FAD]  }
0x30: {  	s3 =	sld [smem:$0x3FB0]  }
0x31: {  	[smem:$0x3FB9] =	sst s10  }
0x32: {  	s10 =	sld [smem:$0x3FB7];
	_ =	sdelay $0x3  }
0x33: {  	p0 =	seq.s32 s10, $0x1;
	s10 =	sld [smem:$0x3FB9];
	_ =	sdelay $0x3  }
0x34: {  	[smem:$0x3FB9] =	sst s10  }
0x35: {  	s10 =	sld [smem:$0x3FB8];
	_ =	sdelay $0x3  }
0x36: {  	p1 =	seq.s32 s10, $0x1;
	s10 =	sld [smem:$0x3FB9];
	_ =	sdelay $0x3  }
0x37: {  	[smem:$0x3FB9] =	sst s10  }
0x38: {  	s10 =	sld [smem:$0x3FBA]  }
0x39: {  	_ = 	snop;
	(pc) =	sbr.ind lr, $3  }
0x3a: {  	_ = 	snop  }
0x3b: {  	_ = 	snop  }
0x3c: {  	p2 =	seq.s32 s10, $0x1;
	s10 =	sld [smem:$0x3FB9]  }
0x3d: {  	_ =	shalt  }
0x3e: {  	_ =	shalt  }
0x3f: {  	_ =	shalt  }
0x40: {  	_ =	shalt  }
0x41: {  	_ =	shalt  }
0x42: {  	_ =	shalt  }
0x43: {  	_ =	shalt  }
0x44: {  	_ =	shalt  }
0x45: {  	_ =	shalt  }
0x46: {  	_ =	shalt  }
0x47: {  	_ =	shalt  }
0x48: {  	_ =	shalt  }
0x49: {  	_ =	shalt  }
0x4a: {  	_ =	shalt  }
0x4b: {  	_ =	shalt  }
0x4c: {  	_ =	shalt  }
0x4d: {  	_ =	shalt  }
0x4e: {  	_ =	shalt  }
0x4f: {  	_ =	shalt  }
0x50: {  	_ =	shalt  }
0x51: {  	_ =	shalt  }
0x52: {  	_ =	shalt  }
0x53: {  	_ =	shalt  }
0x54: {  	_ =	shalt  }
0x55: {  	_ =	shalt  }
0x56: {  	_ =	shalt  }
0x57: {  	_ =	shalt  }
0x58: {  	_ =	shalt  }
0x59: {  	_ =	shalt  }
0x5a: {  	_ =	shalt  }
0x5b: {  	_ =	shalt  }
0x5c: {  	_ =	shalt  }
0x5d: {  	_ =	shalt  }
0x5e: {  	_ =	shalt  }
0x5f: {  	_ =	shalt  }
0x60: {  	_ =	shalt  }
0x61: {  	_ =	shalt  }
0x62: {  	_ =	shalt  }
0x63: {  	_ =	shalt  }
0x64: {  	_ =	shalt  }
0x65: {  	_ =	shalt  }
0x66: {  	_ =	shalt  }
0x67: {  	_ =	shalt  }
0x68: {  	_ =	shalt  }
0x69: {  	_ =	shalt  }
0x6a: {  	_ =	shalt  }
0x6b: {  	_ =	shalt  }
0x6c: {  	_ =	shalt  }
0x6d: {  	_ =	shalt  }
0x6e: {  	_ =	shalt  }
0x6f: {  	_ =	shalt  }
0x70: {  	_ =	shalt  }
0x71: {  	_ =	shalt  }
0x72: {  	_ =	shalt  }
0x73: {  	_ =	shalt  }
0x74: {  	_ =	shalt  }
0x75: {  	_ =	shalt  }
0x76: {  	_ =	shalt  }
0x77: {  	_ =	shalt  }
0x78: {  	_ =	shalt  }
0x79: {  	_ =	shalt  }
0x7a: {  	_ =	shalt  }
0x7b: {  	_ =	shalt  }
0x7c: {  	_ =	shalt  }
0x7d: {  	_ =	shalt  }
0x7e: {  	_ =	shalt  }
0x7f: {  	_ =	shalt  }
0x80: {  	_ =	shalt  }
0x81: {  	_ =	shalt  }
0x82: {  	_ =	shalt  }
0x83: {  	_ =	shalt  }
0x84: {  	_ =	shalt  }
0x85: {  	_ =	shalt  }
0x86: {  	_ =	shalt  }
0x87: {  	_ =	shalt  }
.Lfunc_end0:
.L_simem_size_0:
called_computation_lowered:
.L_overlay_start_0:
0x88: {  	s2 =	sld [smem:$0x3FD9]  }
0x89: {  	s3 =	sld [smem:$0x3FFE];
	_ =	sdelay $0x1  }
0x8a: {  	s1 =	srdreg.scid  }
0x8b: {  	s0 =	sand.u32 $0x1, s1  }
0x8c: {  	s14 =	sshll.u32 s0, $0xA;
	s2 =	sadd.s32 s3, s2  }
0x8d: {  	s2 =	sadd.s32 s2, s14  }
0x8e: {  	[smem:$0x3FC5] =	sst s2  }
0x8f: {  	_ = 	snop  }
0x90: {  	s2 =	sld [smem:$0x3FD0];
	_ =	sdelay $0x1  }
0x91: {  	s15 =	sld [smem:$0x3FC8]  }
0x92: {  	s5 =	simm.s32 $0xA;
	s6 =	simm.s32 $0x10;
	s4 =	sld [smem:$0x3FC7]  }
0x93: {  	[smem:s6], [sflag:s5] =	dma.local [hbm:s2], $0x1  }
0x94: {  	_ =	swait.eq [sflag:s5], $0x1  }
0x95: {  	[sflag:s5] =	ssyncset.done $0x0  }
0x96: {  	s16 =	sld [smem:$0x10];
	[sflag:s5] =	ssyncadd.s32 $0xFFFFFFFF  }
0x97: {  	s17 =	sld [smem:$0x12];
	(tm) =	ssettm $0x1  }
0x98: {  	s18 =	sld [smem:$0x3FFB];
	_ =	sdelay $0x3  }
0x99: {  	_ =	strace s18  }
0x9a: {  	s6 =	sld [smem:$0x3FFC];
	_ =	sdelay $0x3  }
0x9b: {  	_ =	strace s6  }
0x9c: {  	s6 =	sld [smem:$0x3FFD];
	_ =	sdelay $0x3  }
0x9d: {  	_ =	strace s6  }
0x9e: {  	_ =	strace $0x8FFFFFFF  }
0x9f: {  	s19 =	sld [smem:$0x3FDB];
	_ =	sdelay $0x1  }
0xa0: {  	s7 =	simm.s32 $_scs_section_size  }
0xa1: {  	s8 =	simm.s32 $_size__tile_overlayer_lowered;
	s9 =	simm.s32 $_tile_overlayer_lowered  }
0xa2: {  	s22 =	simm.s32 $0x1BFF;
	s21 =	sshll.u32 s9, $0x1;
	s6 =	sadd.s32 s7, s19  }
0xa3: {  	s10 =	simm.s32 $0x0;
	s20 =	sshll.u32 s8, $0x1;
	s8 =	sadd.s32 s21, s6  }
0xa4: {  	[timem:s10], [sflag:s22] =	dma.local [hbm:s8], s20  }
0xa5: {  	_ =	swait.ge [sflag:s22], s20  }
0xa6: {  	s7 =	ssub.s32 $0x0, s20;
	[sflag:s22] =	ssyncset.done $0x0  }
0xa7: {  	[sflag:s22] =	ssyncadd.s32 s7;
	_ =	sdelay $0x1  }
0xa8: {  	s23 =	simm.s32 $0x1B8B  }
0xa9: {  	_ =	swait.ge [sflag:s23], $0x1  }
0xaa: {  	[sflag:s23] =	ssyncset.done $0x0  }
0xab: {  	s25 =	simm.s32 $0x1B8E;
	s24 =	sld [smem:$0x3FFE];
	[sflag:s23] =	ssyncadd.s32 $0xFFFFFFFF  }
0xac: {  	s26 =	simm.s32 $execute0_lowered;
	[smem:$0x3FD2] =	sst s25  }
0xad: {  	s8 =	sshll.u32 s26, $0x1;
	_ =	strace $0x80000046;
	[dreg:$0x1] =	wrdreg $0xFFFFFFFF  }
0xae: {  	s28 =	simm.s32 $_size_execute0_lowered;
	s6 =	sadd.s32 s6, s8;
	[dreg:$0x0] =	wrdreg $0x0  }
0xaf: {  	s8 =	sshll.u32 s28, $0x1;
	[dreg:$0x2] =	wrdreg s6  }
0xb0: {  	[dreg:$0x3] =	wrdreg s8  }
0xb1: {  	[dreg:$0x4] =	wrdreg $0xC0  }
0xb2: {  	_ =	task [dreg:s10], $0x5FFFF  }
0xb3: {  	[dreg:$0x1] =	wrdreg $0xFFFFFFFF  }
0xb4: {  	[dreg:$0x0] =	wrdreg $0x60  }
0xb5: {  	[dreg:$0x2] =	wrdreg s24  }
0xb6: {  	[dreg:$0x3] =	wrdreg s4  }
0xb7: {  	[dreg:$0x4] =	wrdreg s15  }
0xb8: {  	[dreg:$0x5] =	wrdreg s16  }
0xb9: {  	[dreg:$0x6] =	wrdreg s17  }
0xba: {  	[dreg:$0x7] =	wrdreg $0x9  }
0xbb: {  	_ =	task.clear_ibuf [dreg:s10], $0x8FFFF;
	_ =	strace $0x90000046  }
0xbc: {  	s29 =	simm.s32 $0x9;
	_ =	strace $0x80000048  }
0xbd: {  	_ =	swait.ge [sflag:s29], $0x1  }
0xbe: {  	[sflag:s29] =	ssyncadd.s32 $0xFFFFFFFF  }
0xbf: {  	_ =	strace $0x90000048  }
0xc0: {  	_ =	sfence  }
0xc1: {  	s30 =	sld [smem:$0x0];
	_ =	sdelay $0x2  }
0xc2: {  	s31 =	sshll.u32 s1, $0xD;
	s1 =	sshrl.u32 s1, $0x2  }
0xc3: {  	s3 =	sand.u32 $0x4000, s31;
	s1 =	sadd.s32 s1, s30  }
0xc4: {  	s0 =	sor.u32 s3, s0;
	s1 =	sshll.u32 s1, $0x11  }
0xc5: {  	s0 =	sor.u32 s1, s0  }
0xc6: {  	s0 =	sadd.s32 $0x8F2B, s0  }
0xc7: {  	[sflag:s0] =	ssyncadd.remote.s32 $0x1  }
0xc8: {  	_ =	sfence.sel $0xFFFF  }
0xc9: {  	[dreg:$0x0] =	wrdreg $0xFFFFFFFF;
	(pc) =	sbr.abs _section_cstart, $3  }
0xca: {  	[dreg:$0x1] =	wrdreg $0xFFFFFFFF  }
0xcb: {  	_ =	task.clear_ibuf [dreg:s10], $0x2FFFF;
	_ =	strace $0x9FFFFFFF  }
0xcc: {  	(tm) =	ssettm $0x7FFFFFFF  }
0xcd: {  	_ =	shalt  }
tec
execute0_lowered:
.L_overlay_start_1:
0x0: {  	(tag) =	ssettag $0x1  }
0x1: {  	s0 =	rddreg [dreg:$0x0]  }
0x2: {  	s3 =	rddreg [dreg:$0x1]  }
0x3: {  	s1 =	rddreg [dreg:$0x2]  }
0x4: {  	s4 =	rddreg [dreg:$0x3];
	s2 =	simm.s32 $0x0  }
0x5: {  	[smem:$0x7FF] =	sst s2  }
0x6: {  	s5 =	rddreg [dreg:$0x4];
	v0 =	vimm.s32 $0x80000000;
	_ =	strace $0x80000047  }
0x7: {  	(xrf0) =	vmax.scan.msk.u32 $0xffff, v0;
	_ =	sdelay $0x5  }
0x8: {  	v0, _, _ =	vpop (xrf0)  }
0x9: {  	s14 =	stileid.u32;
	s9 =	srdreg.scid;
	(v2sf) =	vpush v0, $0xF  }
0xa: {  	s15 =	simm.s32 $0x800;
	s16 =	simm.s32 $0x1;
	s17 =	simm.s32 $0x400  }
0xb: {  	s6 =	sshrl.u32 s14, $0x3;
	s7 =	sshll.u32 s14, $0x7;
	s9 =	sand.u32 $0x1, s9  }
0xc: {  	s22 =	sshll.u32 s14, $0x15;
	s7 =	sand.u32 $0x380, s7;
	s8 =	sshll.u32 s6, $0xC  }
0xd: {  	s10 =	sshll.u32 s6, $0xA;
	s19 =	ssub.s32 $0x2, s9;
	s21 =	sshll.u32 s9, $0xE  }
0xe: {  	s23 =	sshll.u32 s6, $0xF;
	p0 =	seq.s32 s9, $0x1;
	s8 =	sor.u32 s7, s8  }
0xf: {  	s18 =	sor.u32 s7, s10;
	s13 =	sshrl.u32 s19, $0x1;
	s6 =	sor.u32 s21, s22  }
0x10: {  	s24 =	sor.u32 s21, s23;
	s22 =	simm.s32 $0x4;
	s11 =	sshrl.u32 s8, $0x3  }
0x11: {  	s8 =	sshrl.u32 s18, $0x3;
	s10 =	ssub.s32 s19, s13;
	s25 =	sshrl.u32 s6, $0x3  }
0x12: {  	s13 =	simm.s32 $0x80;
	s18 =	simm.s32 $0x2;
	s3 =	sadd.s32 s3, s11  }
0x13: {  	s12 =	sadd.s32 s11, s0;
	s28 =	sadd.s32 s1, s25;
	[dreg:$0x7] =	wrdreg s3  }
0x14: {  	s0 =	sadd.s32 s8, s0;
	s30 =	sadd.s32 s5, s11;
	[dreg:$0x8] =	wrdreg s28  }
0x15: {  	s31 =	smax.u32 s10, $0x1;
	s20 =	sadd.s32 $0x400, s12;
	[dreg:$0xc] =	wrdreg s30  }
.Ltmp0:
0x16: {  	v1 =	vimm.s32 $0x0;
	s3 =	sor.u32 s7, s24;
	[dreg:$0xd] =	wrdreg s31;
	(pc) =	sbr.rel .LBB2_1-.Ltmp0, $4  }
0x17: {  	v2 =	vimm.s32 $0x1;
	v3 =	vimm.s32 $0x2;
	v4 =	vimm.s32 $0x3;
	s0 =	sadd.s32 $0x800, s0;
	[dreg:$0x6] =	wrdreg s20;
	s3 =	sshrl.u32 s3, $0x3  }
0x18: {  	v5 =	vimm.s32 $0x4;
	v6 =	vimm.s32 $0x5;
	v7 =	vimm.s32 $0x6;
	[dreg:$0xb] =	wrdreg s0;
	s3 =	sadd.s32 s4, s3;
	s26 =	spop (v2sf)  }
0x19: {  	v8 =	vimm.s32 $0x7;
	v9 =	vlaneseq.u32;
	v10 =	vimm.f32 $0.0e+00;
	s19 =	simm.s32 $0x3;
	[dreg:$0xa] =	wrdreg s3;
	s29 =	sxor.u32 $0x80000000, s26  }
0x1a: {  	vm0 =	vmmov $0x1;
	v11 =	vadd.s32 $0x1, v9;
	s24 =	simm.s32 $0x0;
	v0 =	vimm.s32 $0xF;
	p1 =	sgt.s32 s26, $0xFFFFFFFF;
	[dreg:$0x9] =	wrdreg s29  }
.LBB2_37:
0x1b: {  	(xrf2) =	vadd.scan.msk.f32 $0xffff, v13;
	_ =	sdelay $0x9  }
0x1c: {  	v13, _, _ =	vpop (xrf2)  }
0x1d: {  	v13 =	vbroadcast v13, $0xF;
	_ =	sdelay $0x1  }
0x1e: {  	v12 =	vmul.f32 v12, v13;
	_ =	sdelay $0x1  }
0x1f: {  	v12 =	vnsel vm0, $0x0, v12  }
0x20: {  	s0 =	rddreg [dreg:$0xb];
	s3 =	simm.s32 $0x5000;
	[tilespmem:$0x5000] =	vst v12  }
0x21: {  	[hbm4b:s0+s2] =	stream.linear.scatter [tilespmem:s3], [sflag:$0x4], $0x80, $0x38;
	[tilespmem:$0x5080] =	vst v63  }
0x22: {  	_ =	swait.ge [sflag:s22], $0x80  }
0x23: {  	[sflag:s22] =	ssyncset.done $0x0  }
0x24: {  	[sflag:s22] =	ssyncadd.s32 $0xFFFFFF80  }
.LBB2_38:
0x25: {  	_ =	swait.ge [sflag:s19], $0x800  }
0x26: {  	s24 =	sadd.s32 $0x1, s24;
	s0 =	rddreg [dreg:$0xd]  }
0x27: {  	p2 =	sne.s32 s24, s0  }
.Ltmp1:
0x28: {  	_ = 	snop;
	(pc) =	sbr.rel @!p2 .LBB2_39-.Ltmp1, $3  }
0x29: {  	_ =	sdelay $0x1  }
0x2a: {  	[sflag:s19] =	ssyncset.done $0x0  }
0x2b: {  	[sflag:s19] =	ssyncadd.s32 $0xFFFFF800  }
.LBB2_1:
0x2c: {  	s0 =	rddreg [dreg:$0x6]  }
0x2d: {  	[tilespmem:s2], [sflag:$0x1] =	stream.strided.gather [hbm4b:s0+s13], $0x200, s17, s13, $0x38;
	[tilespmem:$0x5080] =	vst v63  }
0x2e: {  	s30 =	rddreg [dreg:$0x7];
	s3 =	simm.s32 $0x200  }
0x2f: {  	[tilespmem:s3], [sflag:$0x2] =	stream.strided.gather [hbm4b:s30+s13], $0x200, s17, s13, $0x38;
	[tilespmem:$0x5080] =	vst v63  }
.Ltmp2:
0x30: {  	s31 =	rddreg [dreg:$0x8];
	(pc) =	sbr.rel @p1 .LBB2_5-.Ltmp2, $4  }
0x31: {  	[tilespmem:s15], [sflag:$0x3] =	stream.linear.gather [hbm4b:s31+s2], $0x4000, $0x38;
	[tilespmem:$0x5080] =	vst v63  }
0x32: {  	_ =	swait.ge [sflag:s16], $0x200  }
0x33: {  	[sflag:s16] =	ssyncset.done $0x0  }
0x34: {  	p2 =	por $0x1, $0x1;
	s0 =	rddreg [dreg:$0x9];
	[sflag:s16] =	ssyncadd.s32 $0xFFFFFE00  }
0x35: {  	s5 =	simm.s32 $0x10  }
0x36: {  	s3 =	simm.s32 $0x0;
	s4 =	simm.s32 $0x400;
	v12 =	vimm.s32 $0x0;
	v13 =	vimm.f32 $0.0e+00;
	s7 =	simm.s32 $0x0  }
.LBB2_3:
0x37: {  	v14 =	vld [tilespmem:s3+$0x0];
	_ =	sdelay $0x4  }
0x38: {  	(xrf2) =	vadd.scan.msk.f32 $0xffff, v14;
	_ =	sdelay $0x9  }
0x39: {  	v14, _, _ =	vpop (xrf2)  }
0x3a: {  	v13 =	vadd.f32 v14, v13;
	_ =	sdelay $0x1  }
0x3b: {  	vm1 =	vlt.f32 v13, $9.900000090e-01  }
0x3c: {  	v14 =	vmpcnt.ones.xlane vm1;
	_ =	sdelay $0x1  }
0x3d: {  	v12 =	vadd.s32 v12, v14  }
0x3e: {  	v14 =	vxor.u32 $0x80000000, v12  }
0x3f: {  	(xrf0) =	vmax.scan.msk.u32 $0xffff, v14;
	_ =	sdelay $0x5  }
0x40: {  	v14, _, _ =	vpop (xrf0)  }
0x41: {  	(v2sf) =	vpush v14, $0xF;
	_ =	sdelay $0xe  }
0x42: {  	s9 =	spop (v2sf)  }
0x43: {  	p2 =	sgt.u32 s7, $0x1E;
	s0 =	sxor.u32 $0x80000000, s9  }
0x44: {  	p3 =	sge.s32 @!p2 s0, s5  }
0x45: {  	p2 =	por p2, !p3  }
.Ltmp3:
0x46: {  	_ = 	snop;
	(pc) =	sbr.rel @!p2 .LBB2_3-.Ltmp3, $3  }
0x47: {  	_ =	sdelay $0x1  }
0x48: {  	s7 =	sadd.s32 $0x1, s7  }
0x49: {  	s3 =	sadd.s32 $0x10, s3;
	[tilespmem:s4+$0x0] =	vst v13;
	v13 =	vperm.xlane v13, v0;
	s4 =	sadd.s32 $0x10, s4;
	s5 =	sadd.s32 $0x10, s5  }
0x4a: {  	p2 =	sgt.s32 s9, $0xFFFFFFFF  }
.LBB2_5:
0x4b: {  	p3 =	slt.s32 s0, $0x1FF;
	s29 =	smov.u32 s0  }
0x4c: {  	s29 =	simm.s32 @!p3 $0x1FF  }
0x4d: {  	p5 =	slt.s32 s0, $0x1;
	s3 =	sand.u32 $0xF, s29  }
0x4e: {  	p2 =	por p2, p5;
	s30 =	sshra.s32 s29, $0x1F;
	p6 =	sne.s32 s3, $0x0  }
0x4f: {  	s31 =	sshrl.u32 s30, $0x1C;
	p3 =	por !p2, !p6  }
0x50: {  	s4 =	simm.s32 $0x1;
	v12 =	vmov s29;
	s3 =	sadd.s32 s31, s29;
	p3 =	por !p3, !p3  }
0x51: {  	s26 =	sshra.s32 s3, $0x4;
	s4 =	simm.s32 @!p3 $0x0  }
0x52: {  	s25 =	ssub.s32 s26, s4  }
0x53: {  	p4 =	slt.s32 s25, $0x0  }
.Ltmp4:
0x54: {  	_ = 	snop;
	(pc) =	sbr.rel @p4 .LBB2_6-.Ltmp4, $4  }
0x55: {  	v14 =	vld.idx.msk [tilespmem:v12+s17+$0x0], $0xffff  }
0x56: {  	v13 =	vld.idx.msk [tilespmem:v12+s2+$0x0], $0xffff;
	_ =	swait.ge [sflag:s18], $0x200  }
0x57: {  	s28 =	simm.s32 $0xFFFFFFFF;
	[sflag:s18] =	ssyncset.done $0x0  }
0x58: {  	s28 =	simm.s32 @!p3 $0x0;
	[sflag:s18] =	ssyncadd.s32 $0xFFFFFE00  }
0x59: {  	s3 =	sadd.s32 s28, s26  }
0x5a: {  	s7 =	sadd.s32 $0x1, s3  }
0x5b: {  	p4 =	sne.s32 s7, $0x1  }
.Ltmp5:
0x5c: {  	_ = 	snop;
	(pc) =	sbr.rel @!p4 .LBB2_11-.Ltmp5, $4  }
0x5d: {  	_ = 	snop  }
0x5e: {  	s4 =	simm.s32 $0x0;
	s5 =	simm.s32 $0x200;
	p3 =	por $0x0, $0x0;
	v14 =	vsub.f32 $1.000000000e+00, v14  }
0x5f: {  	v15 =	vimm.f32 $0.0e+00;
	s10 =	simm.s32 $0x0;
	s9 =	simm.s32 $0x200;
	s11 =	simm.s32 $0x0  }
0x60: {  	v16 =	vimm.f32 $0.0e+00;
	s3 =	simm.s32 $0x600;
	s14 =	sadd.s32 $0xFFFFFFFF, s7;
	s7 =	simm.s32 $0x600;
	v14 =	vadd.f32 v13, v14;
	v13 =	vimm.f32 $0.0e+00  }
0x61: {  	v15 =	vld [tilespmem:s4+$0x0]  }
0x62: {  	v16 =	vld [tilespmem:s5+$0x0]  }
0x63: {  	v17 =	vor.u32 s4, v9;
	p4 =	sne.s32 s14, $0x1  }
.Ltmp6:
0x64: {  	vm1 =	veq.s32 v17, v12;
	(pc) =	sbr.rel @!p4 .LBB2_9-.Ltmp6, $4  }
0x65: {  	vm2 =	vlt.s32 v17, v12;
	v19 =	vnsel vm1, $0x0, v14  }
0x66: {  	v18 =	vadd.s32 s4, v11;
	v15 =	vsel vm2, v15, v19  }
0x67: {  	s14 =	sadd.s32 $0xFFFFFFFF, s14;
	p3 =	por $0x1, $0x1;
	s7 =	simm.s32 $0x600;
	v17 =	vcvt.s32.f32 v18;
	v18 =	vmul.f32 v16, v15  }
0x68: {  	s10 =	simm.s32 $0x0;
	s9 =	simm.s32 $0x200;
	s11 =	simm.s32 $0x0;
	v15 =	vimm.f32 $0.0e+00;
	v16 =	vimm.f32 $0.0e+00  }
.LBB2_10:
0x69: {  	p4 =	sne.s32 s14, $0x1;
	[tilespmem:s7+$0x0] =	vst v18;
	v15 =	vadd.f32 v18, v15;
	v17 =	vmul.f32 v17, v18;
	s10 =	sadd.s32 $0x10, s10  }
0x6a: {  	s9 =	sadd.s32 $0x10, s9;
	v18 =	vld [tilespmem:s10+$0x0]  }
0x6b: {  	s11 =	sadd.s32 $0x10, s11;
	v19 =	vld [tilespmem:s9+$0x0];
	v16 =	vadd.f32 v17, v16  }
0x6c: {  	v20 =	vor.u32 s11, v9;
	v17 =	vadd.s32 s11, v11  }
.Ltmp7:
0x6d: {  	vm1 =	veq.s32 v20, v12;
	v17 =	vcvt.s32.f32 v17;
	(pc) =	sbr.rel @p4 .LBB2_10-.Ltmp7, $4  }
0x6e: {  	vm2 =	vlt.s32 v20, v12;
	v20 =	vnsel vm1, $0x0, v14  }
0x6f: {  	v18 =	vsel vm2, v18, v20  }
0x70: {  	v18 =	vmul.f32 v19, v18  }
0x71: {  	s14 =	sadd.s32 $0xFFFFFFFF, s14;
	s7 =	sadd.s32 $0x10, s7  }
.LBB2_11:
0x72: {  	s10 =	sadd.s32 @p3 $0x10, s10;
	s14 =	simm.s32 $0x0  }
0x73: {  	[tilespmem:s7+$0x0] =	vst @p3 v18;
	s9 =	sadd.s32 @p3 $0x10, s9;
	s14 =	smov.u32 @p3 s10  }
0x74: {  	s5 =	smov.u32 @p3 s9;
	s9 =	sadd.s32 @p3 $0x10, s11;
	v19 =	vld [tilespmem:s14+$0x0]  }
0x75: {  	v20 =	vld [tilespmem:s5+$0x0];
	s4 =	smov.u32 @p3 s9  }
0x76: {  	v21 =	vor.u32 s4, v9  }
0x77: {  	vm1 =	veq.s32 v21, v12  }
0x78: {  	vm2 =	vlt.s32 v21, v12;
	v12 =	vnsel vm1, $0x0, v14  }
0x79: {  	v62 =	vadd.s32 s4, v11;
	v14 =	vmul.f32 @p3 v17, v18;
	v12 =	vsel vm2, v19, v12  }
0x7a: {  	v17 =	vcvt.s32.f32 v62;
	v12 =	vmul.f32 v20, v12  }
.Ltmp8:
0x7b: {  	v15 =	vadd.f32 @p3 v18, v15;
	v14 =	vadd.f32 @p3 v14, v16;
	(pc) =	sbr.rel .LBB2_12-.Ltmp8, $4  }
0x7c: {  	v63 =	vmul.f32 v17, v12  }
0x7d: {  	v15 =	vpsel p3, v15, v13;
	s4 =	sadd.s32 @p3 $0x10, s7;
	v13 =	vpsel p3, v14, v13  }
0x7e: {  	s3 =	smov.u32 @p3 s4;
	v13 =	vadd.f32 v63, v13  }
0x7f: {  	[tilespmem:s3+$0x0] =	vst v12;
	v12 =	vadd.f32 v12, v15  }
.LBB2_6:
0x80: {  	v12 =	vimm.f32 $0.0e+00;
	v13 =	vimm.f32 $0.0e+00  }
.LBB2_12:
0x81: {  	_ = 	snop  }
0x82: {  	(xrf2) =	vadd.scan.msk.f32 $0xffff, v12;
	_ =	sdelay $0x9  }
0x83: {  	v12, _, _ =	vpop (xrf2)  }
0x84: {  	(v2sf) =	vpush v12, $0xF;
	_ =	sdelay $0xe  }
0x85: {  	s3 =	spop (v2sf)  }
0x86: {  	s3 =	smax.f32 s3, $9.999999770e-03  }
0x87: {  	v12 =	vmov s3  }
0x88: {  	(erf) = vrcp.f32 v12;
	_ =	sdelay $0x8  }
0x89: {  	v12 =	vpop (erf)  }
0x8a: {  	_ =	swait.ge [sflag:s19], $0x4000  }
0x8b: {  	[sflag:s19] =	ssyncset.done $0x0  }
0x8c: {  	[sflag:s19] =	ssyncadd.s32 $0xFFFFC000  }
0x8d: {  	v14 =	vld [tilespmem:$0x600];
	_ =	sdelay $0x2  }
0x8e: {  	p3 =	sgt.s32 s0, $0x3  }
.Ltmp9:
0x8f: {  	_ = 	snop;
	(pc) =	sbr.rel @p3 .LBB2_13-.Ltmp9, $3  }
0x90: {  	v18 =	vmul.f32 v14, v12;
	_ =	sdelay $0x1  }
0x91: {  	v16 =	vperm.xlane v18, v1;
	v17 =	vperm.xlane v18, v2  }
0x92: {  	s23 =	simm.s32 $0x0;
	s31 =	simm.s32 $0x4800;
	v15 =	vperm.xlane v18, v3;
	v14 =	vperm.xlane v18, v4  }
0x93: {  	s0 =	sand.u32 $0x40, s23;
	s3 =	sand.u32 $0x3C00, s23  }
0x94: {  	s3 =	sadd.s32 $0x800, s3;
	s20 =	sor.u32 $0x30, s0  }
0x95: {  	s4 =	sor.u32 s20, s3  }
0x96: {  	v18 =	vld [tilespmem:s4+$0x0]  }
0x97: {  	s9 =	sor.u32 s0, s3;
	v19 =	vld [tilespmem:s4+$0x80]  }
0x98: {  	v20 =	vld [tilespmem:s9+$0x0]  }
0x99: {  	v21 =	vld [tilespmem:s4+$0x100]  }
0x9a: {  	s7 =	sor.u32 $0x10, s0;
	v22 =	vld [tilespmem:s9+$0x80]  }
0x9b: {  	s10 =	sor.u32 s7, s3;
	v23 =	vld [tilespmem:s4+$0x180]  }
0x9c: {  	s5 =	sor.u32 $0x20, s0;
	v24 =	vld [tilespmem:s10+$0x0]  }
0x9d: {  	s3 =	sor.u32 s5, s3;
	v25 =	vld [tilespmem:s10+$0x80]  }
0x9e: {  	v26 =	vld [tilespmem:s3+$0x0]  }
0x9f: {  	v27 =	vld [tilespmem:s3+$0x80]  }
0xa0: {  	v28 =	vld [tilespmem:s9+$0x100]  }
0xa1: {  	s21 =	simm.s32 $0x40;
	v29 =	vld [tilespmem:s10+$0x100];
	s4 =	simm.s32 $0x200  }
0xa2: {  	s14 =	sand.u32 $0x40, s21;
	v30 =	vld [tilespmem:s3+$0x100];
	s0 =	sand.u32 $0x3C00, s4  }
0xa3: {  	v31 =	vld [tilespmem:s9+$0x180];
	s9 =	sadd.s32 $0x800, s0;
	s0 =	sor.u32 $0x30, s14;
	v18 =	vmul.f32 v18, v16;
	v19 =	vmul.f32 v19, v17  }
0xa4: {  	v32 =	vld [tilespmem:s10+$0x180];
	s8 =	sor.u32 s0, s9  }
0xa5: {  	s11 =	sor.u32 s14, s9;
	v33 =	vld [tilespmem:s8+$0x0];
	v20 =	vmul.f32 v20, v16;
	v18 =	vadd.f32 v19, v18;
	v19 =	vmul.f32 v21, v15  }
0xa6: {  	v34 =	vld [tilespmem:s11+$0x0];
	v22 =	vmul.f32 v22, v17;
	v23 =	vmul.f32 v23, v14  }
0xa7: {  	v18 =	vadd.f32 v19, v18;
	v19 =	vmul.f32 v24, v16;
	v24 =	vmul.f32 v25, v17;
	v25 =	vld [tilespmem:s8+$0x80]  }
0xa8: {  	v26 =	vmul.f32 v26, v16;
	v27 =	vmul.f32 v27, v17;
	v21 =	vld [tilespmem:s3+$0x180]  }
0xa9: {  	v20 =	vadd.f32 v22, v20;
	v22 =	vmul.f32 v28, v15;
	v18 =	vadd.f32 v23, v18;
	v23 =	vld [tilespmem:s8+$0x100]  }
0xaa: {  	s3 =	sor.u32 $0x10, s14;
	v26 =	vadd.f32 v27, v26;
	v27 =	vld [tilespmem:s11+$0x80];
	v19 =	vadd.f32 v24, v19;
	v24 =	vmul.f32 v29, v15  }
0xab: {  	v59 =	vld [tilespmem:s8+$0x180];
	v58 =	vmul.f32 v31, v14;
	s4 =	sor.u32 s3, s9;
	v20 =	vadd.f32 v22, v20;
	v22 =	vmul.f32 v30, v15  }
0xac: {  	s12 =	sand.u32 $0x780, s23;
	s10 =	sor.u32 $0x20, s14;
	v60 =	vld [tilespmem:s4+$0x0];
	v24 =	vadd.f32 v24, v19;
	v19 =	vmul.f32 v33, v16;
	v25 =	vmul.f32 v25, v17  }
0xad: {  	s23 =	sor.u32 $0x4800, s12;
	s14 =	sor.u32 s10, s9;
	v61 =	vld [tilespmem:s4+$0x80];
	v22 =	vadd.f32 v22, v26;
	v26 =	vmul.f32 v32, v14;
	v20 =	vadd.f32 v58, v20  }
0xae: {  	s20 =	sor.u32 s20, s23;
	v62 =	vmul.f32 v21, v14;
	v25 =	vadd.f32 v25, v19;
	v19 =	vld [tilespmem:s14+$0x0];
	v23 =	vmul.f32 v23, v15  }
0xaf: {  	v21 =	vld [tilespmem:s14+$0x80];
	[tilespmem:s20+$0x0] =	vst v18;
	v18 =	vadd.f32 v26, v24;
	v24 =	vmul.f32 v34, v16;
	v26 =	vmul.f32 v27, v17  }
0xb0: {  	s7 =	sor.u32 s7, s23;
	s5 =	sor.u32 s5, s23;
	s23 =	sand.u32 $0x780, s21;
	v29 =	vmul.f32 v59, v14;
	[tilespmem:s31+$0x0] =	vst v20;
	v20 =	vld [tilespmem:s11+$0x100];
	v27 =	vadd.f32 v62, v22;
	v63 =	vadd.f32 v23, v25  }
0xb1: {  	s21 =	sor.u32 $0x4800, s23;
	v22 =	vld [tilespmem:s4+$0x100];
	[tilespmem:s7+$0x0] =	vst v18;
	v18 =	vadd.f32 v26, v24  }
0xb2: {  	s20 =	simm.s32 $0x4;
	[tilespmem:s5+$0x0] =	vst v27;
	v26 =	vmul.f32 v61, v17;
	s5 =	simm.s32 $0x400;
	s7 =	simm.s32 $0x80;
	v25 =	vmul.f32 v60, v16;
	v23 =	vld [tilespmem:s14+$0x100];
	v24 =	vadd.f32 v29, v63  }
.LBB2_17:
0xb3: {  	s9 =	sand.u32 $0x40, s7;
	s23 =	sand.u32 $0x3C00, s5;
	v27 =	vld [tilespmem:s11+$0x180];
	v19 =	vmul.f32 v19, v16;
	s11 =	sor.u32 s0, s21  }
0xb4: {  	s20 =	sadd.s32 $0x4, s20;
	s23 =	sadd.s32 $0x800, s23;
	s0 =	sor.u32 $0x30, s9;
	v25 =	vadd.f32 v26, v25;
	v26 =	vld [tilespmem:s4+$0x180];
	v21 =	vmul.f32 v21, v17;
	[tilespmem:s11+$0x0] =	vst v24  }
0xb5: {  	s12 =	sor.u32 $0x10, s9;
	p3 =	slt.u32 s20, $0x7C;
	s8 =	sor.u32 s0, s23;
	v20 =	vmul.f32 v20, v15;
	v24 =	vld [tilespmem:s14+$0x180]  }
0xb6: {  	s11 =	sor.u32 s9, s23;
	s4 =	sor.u32 s12, s23;
	s9 =	sor.u32 $0x20, s9;
	v28 =	vld [tilespmem:s8+$0x0];
	v22 =	vmul.f32 v22, v15;
	v19 =	vadd.f32 v21, v19  }
0xb7: {  	s14 =	sor.u32 s9, s23;
	s23 =	sor.u32 s3, s21;
	s21 =	sor.u32 s10, s21;
	v21 =	vld [tilespmem:s8+$0x80];
	v18 =	vadd.f32 v20, v18;
	v20 =	vmul.f32 v23, v15  }
0xb8: {  	s3 =	smov.u32 s12;
	s10 =	smov.u32 s9;
	v23 =	vld [tilespmem:s11+$0x0];
	v27 =	vmul.f32 v27, v14;
	v22 =	vadd.f32 v22, v25  }
0xb9: {  	v25 =	vld [tilespmem:s8+$0x100];
	v26 =	vmul.f32 v26, v14;
	v19 =	vadd.f32 v20, v19  }
0xba: {  	v20 =	vld [tilespmem:s11+$0x80];
	v18 =	vadd.f32 v27, v18;
	v24 =	vmul.f32 v24, v14  }
0xbb: {  	s31 =	sadd.s32 $0x40, s31;
	v27 =	vld [tilespmem:s8+$0x180];
	v22 =	vadd.f32 v26, v22  }
0xbc: {  	v28 =	vmul.f32 v28, v16;
	v26 =	vld [tilespmem:s4+$0x0];
	v21 =	vmul.f32 v21, v17;
	[tilespmem:s31+$0x0] =	vst v18;
	v18 =	vadd.f32 v24, v19  }
0xbd: {  	v23 =	vmul.f32 v23, v16;
	v24 =	vld [tilespmem:s4+$0x80];
	[tilespmem:s23+$0x0] =	vst v22  }
.Ltmp10:
0xbe: {  	v19 =	vld [tilespmem:s14+$0x0];
	v22 =	vadd.f32 v21, v28;
	v25 =	vmul.f32 v25, v15;
	[tilespmem:s21+$0x0] =	vst v18;
	(pc) =	sbr.rel @p3 .LBB2_17-.Ltmp10, $4  }
0xbf: {  	v18 =	vmul.f32 v20, v17;
	v21 =	vld [tilespmem:s14+$0x80]  }
0xc0: {  	v20 =	vld [tilespmem:s11+$0x100];
	v28 =	vadd.f32 v25, v22;
	v27 =	vmul.f32 v27, v14  }
0xc1: {  	s8 =	sand.u32 $0x780, s7;
	v18 =	vadd.f32 v18, v23;
	v25 =	vmul.f32 v26, v16;
	v22 =	vld [tilespmem:s4+$0x100]  }
0xc2: {  	s5 =	sadd.s32 $0x200, s5;
	s7 =	sadd.s32 $0x40, s7;
	s21 =	sor.u32 $0x4800, s8;
	v26 =	vmul.f32 v24, v17;
	v23 =	vld [tilespmem:s14+$0x100];
	v24 =	vadd.f32 v27, v28  }
0xc3: {  	v27 =	vld [tilespmem:s11+$0x180]  }
0xc4: {  	v28 =	vld [tilespmem:s4+$0x180]  }
0xc5: {  	v16 =	vmul.f32 v19, v16;
	v56 =	vld [tilespmem:s14+$0x180];
	v17 =	vmul.f32 v21, v17  }
0xc6: {  	v20 =	vmul.f32 v20, v15  }
0xc7: {  	v57 =	vadd.f32 v26, v25;
	v22 =	vmul.f32 v22, v15;
	v16 =	vadd.f32 v17, v16  }
0xc8: {  	v58 =	vadd.f32 v20, v18;
	v15 =	vmul.f32 v23, v15;
	v59 =	vmul.f32 v27, v14  }
0xc9: {  	v60 =	vadd.f32 v22, v57;
	v61 =	vmul.f32 v28, v14  }
.Ltmp11:
0xca: {  	s0 =	sor.u32 s0, s21;
	v14 =	vmul.f32 v56, v14;
	v15 =	vadd.f32 v15, v16;
	v62 =	vadd.f32 v59, v58;
	(pc) =	sbr.rel .LBB2_19-.Ltmp11, $4  }
0xcb: {  	s23 =	sadd.s32 $0x40, s31;
	[tilespmem:s0+$0x0] =	vst v24;
	v63 =	vadd.f32 v61, v60  }
0xcc: {  	s3 =	sor.u32 s3, s21;
	v14 =	vadd.f32 v14, v15;
	[tilespmem:s23+$0x0] =	vst v62  }
0xcd: {  	s31 =	sor.u32 s10, s21;
	[tilespmem:s3+$0x0] =	vst v63  }
0xce: {  	[tilespmem:s31+$0x0] =	vst v14  }
.LBB2_13:
0xcf: {  	s0 =	sand.u32 $0x40, s23;
	s3 =	sand.u32 $0x3C00, s23  }
0xd0: {  	s3 =	sadd.s32 $0x800, s3;
	s10 =	sor.u32 $0x30, s0  }
0xd1: {  	s4 =	sor.u32 s10, s3  }
0xd2: {  	v22 =	vld [tilespmem:s4+$0x0]  }
0xd3: {  	s5 =	sor.u32 s0, s3;
	v23 =	vld [tilespmem:s4+$0x80]  }
0xd4: {  	v24 =	vld [tilespmem:s5+$0x0]  }
0xd5: {  	v25 =	vld [tilespmem:s4+$0x100]  }
0xd6: {  	s20 =	sor.u32 $0x10, s0;
	v26 =	vld [tilespmem:s5+$0x80]  }
0xd7: {  	s7 =	sor.u32 s20, s3;
	v27 =	vld [tilespmem:s4+$0x180]  }
0xd8: {  	v28 =	vld [tilespmem:s7+$0x0]  }
0xd9: {  	v29 =	vld [tilespmem:s4+$0x200]  }
0xda: {  	s14 =	sor.u32 $0x20, s0;
	v30 =	vld [tilespmem:s7+$0x80]  }
0xdb: {  	s0 =	sor.u32 s14, s3;
	v31 =	vld [tilespmem:s4+$0x280]  }
0xdc: {  	v32 =	vld [tilespmem:s0+$0x0]  }
0xdd: {  	v33 =	vld [tilespmem:s4+$0x300]  }
0xde: {  	v34 =	vld [tilespmem:s0+$0x80]  }
0xdf: {  	v35 =	vld [tilespmem:s4+$0x380]  }
0xe0: {  	v36 =	vld [tilespmem:s5+$0x100]  }
0xe1: {  	v37 =	vld [tilespmem:s7+$0x100]  }
0xe2: {  	v38 =	vld [tilespmem:s0+$0x100]  }
0xe3: {  	v39 =	vld [tilespmem:s5+$0x180]  }
0xe4: {  	v40 =	vld [tilespmem:s7+$0x180]  }
0xe5: {  	v41 =	vld [tilespmem:s0+$0x180]  }
0xe6: {  	v42 =	vld [tilespmem:s5+$0x200]  }
0xe7: {  	v43 =	vld [tilespmem:s7+$0x200]  }
0xe8: {  	v44 =	vld [tilespmem:s0+$0x200]  }
0xe9: {  	v21 =	vperm.xlane v18, v5;
	s21 =	simm.s32 $0x200;
	v45 =	vld [tilespmem:s5+$0x280];
	s4 =	simm.s32 $0x40  }
0xea: {  	v20 =	vperm.xlane v18, v6;
	v19 =	vperm.xlane v18, v7;
	s3 =	sand.u32 $0x3C00, s21;
	v46 =	vld [tilespmem:s0+$0x280];
	s8 =	sand.u32 $0x40, s4  }
0xeb: {  	v18 =	vperm.xlane v18, v8;
	v47 =	vld [tilespmem:s7+$0x300];
	s9 =	sadd.s32 $0x800, s3;
	s11 =	sor.u32 $0x30, s8;
	v22 =	vmul.f32 v22, v16  }
0xec: {  	v48 =	vld [tilespmem:s5+$0x380];
	s3 =	sor.u32 s11, s9;
	v23 =	vmul.f32 v23, v17;
	v24 =	vmul.f32 v24, v16  }
0xed: {  	v49 =	vld [tilespmem:s3+$0x0];
	v26 =	vmul.f32 v26, v17;
	v28 =	vmul.f32 v28, v16  }
0xee: {  	v51 =	vld [tilespmem:s3+$0x80];
	v63 =	vmul.f32 v34, v17;
	v50 =	vmul.f32 v37, v15  }
0xef: {  	v53 =	vld [tilespmem:s3+$0x100];
	v35 =	vmul.f32 v35, v18;
	v22 =	vadd.f32 v23, v22;
	v23 =	vmul.f32 v25, v15  }
0xf0: {  	v56 =	vld [tilespmem:s3+$0x200];
	v54 =	vmul.f32 v40, v14;
	v24 =	vadd.f32 v26, v24;
	v26 =	vmul.f32 v30, v17  }
0xf1: {  	v58 =	vld [tilespmem:s3+$0x280];
	v55 =	vmul.f32 v42, v21;
	v22 =	vadd.f32 v23, v22;
	v23 =	vmul.f32 v27, v14  }
0xf2: {  	v57 =	vmul.f32 v43, v21;
	v60 =	vmul.f32 v45, v20;
	v25 =	vld [tilespmem:s7+$0x280];
	v26 =	vadd.f32 v26, v28  }
0xf3: {  	v30 =	vmul.f32 v32, v16;
	v32 =	vld [tilespmem:s0+$0x380];
	v22 =	vadd.f32 v23, v22;
	v23 =	vmul.f32 v29, v21  }
0xf4: {  	v27 =	vld [tilespmem:s5+$0x300];
	v28 =	vmul.f32 v36, v15;
	v34 =	vmul.f32 v49, v16;
	v26 =	vadd.f32 v50, v26  }
0xf5: {  	v37 =	vmul.f32 v51, v17;
	v29 =	vld [tilespmem:s0+$0x300];
	s0 =	sor.u32 s8, s9;
	v22 =	vadd.f32 v23, v22;
	v23 =	vmul.f32 v31, v20  }
0xf6: {  	v24 =	vadd.f32 v28, v24;
	v28 =	vmul.f32 v39, v14;
	v62 =	vld [tilespmem:s0+$0x80];
	v26 =	vadd.f32 v54, v26  }
0xf7: {  	v25 =	vmul.f32 v25, v20;
	v50 =	vld [tilespmem:s0+$0x180];
	v22 =	vadd.f32 v23, v22;
	v23 =	vmul.f32 v33, v19  }
0xf8: {  	v31 =	vld [tilespmem:s7+$0x380];
	v24 =	vadd.f32 v28, v24;
	v28 =	vmul.f32 v41, v14;
	v26 =	vadd.f32 v57, v26  }
0xf9: {  	v59 =	vld [tilespmem:s3+$0x300];
	v22 =	vadd.f32 v23, v22;
	v23 =	vadd.f32 v63, v30;
	v30 =	vmul.f32 v38, v15  }
0xfa: {  	v61 =	vld [tilespmem:s3+$0x380];
	s7 =	sor.u32 $0x20, s8;
	v27 =	vmul.f32 v27, v19;
	v24 =	vadd.f32 v55, v24;
	v29 =	vmul.f32 v29, v19  }
0xfb: {  	s21 =	sor.u32 s7, s9;
	v25 =	vadd.f32 v25, v26;
	v26 =	vmul.f32 v47, v19;
	v23 =	vadd.f32 v30, v23;
	v30 =	vld [tilespmem:s3+$0x180]  }
0xfc: {  	v45 =	vld [tilespmem:s21+$0x0];
	v24 =	vadd.f32 v60, v24;
	v49 =	vmul.f32 v62, v17;
	v57 =	vmul.f32 v50, v14  }
0xfd: {  	v52 =	vld [tilespmem:s0+$0x0];
	v31 =	vmul.f32 v31, v18;
	v23 =	vadd.f32 v28, v23;
	v28 =	vmul.f32 v44, v21  }
0xfe: {  	s5 =	sor.u32 $0x10, s8;
	v47 =	vld [tilespmem:s0+$0x100];
	v24 =	vadd.f32 v27, v24;
	v27 =	vadd.f32 v37, v34;
	v44 =	vmul.f32 v53, v15  }
0xff: {  	s3 =	sor.u32 s5, s9;
	v25 =	vadd.f32 v26, v25;
	v26 =	vld [tilespmem:s21+$0x80];
	v23 =	vadd.f32 v28, v23;
	v28 =	vmul.f32 v46, v20  }
0x100: {  	v22 =	vadd.f32 v35, v22;
	v63 =	vld [tilespmem:s3+$0x0];
	v27 =	vadd.f32 v44, v27;
	v30 =	vmul.f32 v30, v14  }
0x101: {  	v25 =	vadd.f32 v31, v25;
	v53 =	vmul.f32 v45, v16;
	v23 =	vadd.f32 v28, v23;
	v28 =	vld [tilespmem:s3+$0x80]  }
0x102: {  	v46 =	vmul.f32 v48, v18;
	v48 =	vld [tilespmem:s3+$0x100];
	v27 =	vadd.f32 v30, v27;
	v30 =	vmul.f32 v56, v21  }
0x103: {  	v31 =	vld [tilespmem:s21+$0x100];
	v34 =	vmul.f32 v47, v15;
	v23 =	vadd.f32 v29, v23;
	v29 =	vmul.f32 v32, v18  }
0x104: {  	v55 =	vld [tilespmem:s0+$0x200];
	v26 =	vmul.f32 v26, v17;
	v27 =	vadd.f32 v30, v27;
	v30 =	vmul.f32 v58, v20  }
0x105: {  	v51 =	vmul.f32 v63, v16;
	v29 =	vadd.f32 v29, v23;
	v23 =	vmul.f32 v52, v16;
	v52 =	vld [tilespmem:s3+$0x180]  }
0x106: {  	v54 =	vld [tilespmem:s21+$0x180];
	v28 =	vmul.f32 v28, v17;
	v27 =	vadd.f32 v30, v27;
	v30 =	vmul.f32 v59, v19  }
0x107: {  	s9 =	sand.u32 $0x780, s23;
	v24 =	vadd.f32 v46, v24;
	v56 =	vld [tilespmem:s3+$0x200];
	v32 =	vmul.f32 v48, v15;
	v23 =	vadd.f32 v49, v23  }
0x108: {  	s8 =	sor.u32 $0x4800, s9;
	v28 =	vadd.f32 v28, v51;
	v27 =	vadd.f32 v30, v27;
	v30 =	vmul.f32 v31, v15;
	v31 =	vld [tilespmem:s21+$0x200]  }
0x109: {  	v62 =	vmul.f32 v55, v21;
	s10 =	sor.u32 s10, s8;
	v26 =	vadd.f32 v26, v53;
	v58 =	vld [tilespmem:s0+$0x280];
	v23 =	vadd.f32 v34, v23  }
0x10a: {  	s12 =	sor.u32 s20, s8;
	[tilespmem:s10+$0x0] =	vst v22;
	v22 =	vld [tilespmem:s3+$0x280];
	v59 =	vmul.f32 v61, v18;
	v28 =	vadd.f32 v32, v28;
	v60 =	vmul.f32 v52, v14  }
0x10b: {  	s4 =	sand.u32 $0x780, s4;
	[tilespmem:s12+$0x0] =	vst v25;
	v61 =	vmul.f32 v54, v14;
	v26 =	vadd.f32 v30, v26;
	v30 =	vadd.f32 v57, v23;
	v23 =	vld [tilespmem:s21+$0x280]  }
0x10c: {  	s4 =	sor.u32 $0x4800, s4;
	s8 =	sor.u32 s14, s8;
	[tilespmem:s31+$0x0] =	vst v24;
	v24 =	vld [tilespmem:s0+$0x300];
	v63 =	vmul.f32 v56, v21;
	v34 =	vadd.f32 v59, v27;
	v28 =	vadd.f32 v60, v28  }
0x10d: {  	s23 =	sor.u32 s5, s4;
	s14 =	simm.s32 $0x4;
	s20 =	sor.u32 s11, s4;
	v25 =	vld [tilespmem:s3+$0x300];
	[tilespmem:s8+$0x0] =	vst v29;
	v29 =	vadd.f32 v61, v26;
	v31 =	vmul.f32 v31, v21  }
0x10e: {  	s11 =	sor.u32 s7, s4;
	s10 =	simm.s32 $0x400;
	[tilespmem:s20+$0x0] =	vst v34;
	v26 =	vld [tilespmem:s21+$0x300];
	s20 =	simm.s32 $0x80;
	v27 =	vadd.f32 v62, v30;
	v30 =	vmul.f32 v58, v20;
	v28 =	vadd.f32 v63, v28  }
.LBB2_14:
0x10f: {  	s7 =	sand.u32 $0x40, s20;
	s4 =	sand.u32 $0x3C00, s10;
	v32 =	vld [tilespmem:s0+$0x380];
	v22 =	vmul.f32 v22, v20;
	v29 =	vadd.f32 v31, v29  }
0x110: {  	s14 =	sadd.s32 $0x4, s14;
	s8 =	sadd.s32 $0x800, s4;
	s4 =	sor.u32 $0x30, s7;
	v27 =	vadd.f32 v30, v27;
	v30 =	vld [tilespmem:s3+$0x380];
	v23 =	vmul.f32 v23, v20  }
0x111: {  	s5 =	sor.u32 $0x10, s7;
	p3 =	slt.u32 s14, $0x7C;
	s9 =	sor.u32 s4, s8;
	v24 =	vmul.f32 v24, v19;
	v22 =	vadd.f32 v22, v28;
	v28 =	vld [tilespmem:s21+$0x380]  }
0x112: {  	s0 =	sor.u32 s7, s8;
	s3 =	sor.u32 s5, s8;
	s7 =	sor.u32 $0x20, s7;
	v31 =	vld [tilespmem:s9+$0x0];
	v25 =	vmul.f32 v25, v19;
	v23 =	vadd.f32 v23, v29  }
0x113: {  	s21 =	sor.u32 s7, s8;
	v29 =	vld [tilespmem:s9+$0x80];
	v24 =	vadd.f32 v24, v27;
	v26 =	vmul.f32 v26, v19  }
0x114: {  	v27 =	vld [tilespmem:s0+$0x0];
	v32 =	vmul.f32 v32, v18;
	v22 =	vadd.f32 v25, v22  }
0x115: {  	v25 =	vld [tilespmem:s9+$0x100];
	v30 =	vmul.f32 v30, v18;
	v23 =	vadd.f32 v26, v23  }
0x116: {  	v26 =	vld [tilespmem:s0+$0x80];
	v24 =	vadd.f32 v32, v24;
	v28 =	vmul.f32 v28, v18  }
0x117: {  	s31 =	sadd.s32 $0x40, s31;
	v32 =	vld [tilespmem:s9+$0x180];
	v22 =	vadd.f32 v30, v22  }
0x118: {  	v31 =	vmul.f32 v31, v16;
	v30 =	vld [tilespmem:s3+$0x0];
	v29 =	vmul.f32 v29, v17;
	[tilespmem:s31+$0x0] =	vst v24;
	v23 =	vadd.f32 v28, v23  }
0x119: {  	v24 =	vmul.f32 v27, v16;
	v27 =	vld [tilespmem:s9+$0x200];
	[tilespmem:s23+$0x0] =	vst v22  }
0x11a: {  	v22 =	vld [tilespmem:s3+$0x80];
	v28 =	vadd.f32 v29, v31;
	v25 =	vmul.f32 v25, v15;
	[tilespmem:s11+$0x0] =	vst v23  }
0x11b: {  	v23 =	vmul.f32 v26, v17;
	v26 =	vld [tilespmem:s9+$0x280]  }
0x11c: {  	v29 =	vld [tilespmem:s21+$0x0];
	v25 =	vadd.f32 v25, v28;
	v28 =	vmul.f32 v32, v14  }
0x11d: {  	v23 =	vadd.f32 v23, v24;
	v24 =	vmul.f32 v30, v16;
	v30 =	vld [tilespmem:s9+$0x300]  }
0x11e: {  	v31 =	vld [tilespmem:s21+$0x80];
	v25 =	vadd.f32 v28, v25;
	v27 =	vmul.f32 v27, v21  }
0x11f: {  	v22 =	vmul.f32 v22, v17;
	v28 =	vld [tilespmem:s9+$0x380]  }
0x120: {  	v32 =	vld [tilespmem:s0+$0x100];
	v25 =	vadd.f32 v27, v25;
	v26 =	vmul.f32 v26, v20  }
0x121: {  	v22 =	vadd.f32 v22, v24;
	v24 =	vld [tilespmem:s3+$0x100];
	v27 =	vmul.f32 v29, v16  }
0x122: {  	v29 =	vld [tilespmem:s21+$0x100];
	v25 =	vadd.f32 v26, v25;
	v26 =	vmul.f32 v30, v19  }
0x123: {  	v30 =	vld [tilespmem:s0+$0x180];
	v31 =	vmul.f32 v31, v17  }
0x124: {  	v33 =	vld [tilespmem:s3+$0x180];
	v25 =	vadd.f32 v26, v25;
	v26 =	vmul.f32 v28, v18  }
0x125: {  	s8 =	sand.u32 $0x780, s20;
	v28 =	vmul.f32 v32, v15;
	v27 =	vadd.f32 v31, v27;
	v31 =	vld [tilespmem:s21+$0x180]  }
0x126: {  	s8 =	sor.u32 $0x4800, s8;
	v32 =	vld [tilespmem:s0+$0x200];
	v24 =	vmul.f32 v24, v15;
	v25 =	vadd.f32 v26, v25  }
0x127: {  	s4 =	sor.u32 s4, s8;
	s23 =	sor.u32 s5, s8;
	s11 =	sor.u32 s7, s8;
	v23 =	vadd.f32 v28, v23;
	v26 =	vld [tilespmem:s3+$0x200];
	v28 =	vmul.f32 v29, v15  }
0x128: {  	v29 =	vmul.f32 v30, v14;
	v24 =	vadd.f32 v24, v22;
	v30 =	vld [tilespmem:s21+$0x200];
	[tilespmem:s4+$0x0] =	vst v25  }
0x129: {  	v34 =	vld [tilespmem:s0+$0x280];
	v25 =	vmul.f32 v33, v14;
	v27 =	vadd.f32 v28, v27  }
.Ltmp12:
0x12a: {  	v28 =	vadd.f32 v29, v23;
	v22 =	vld [tilespmem:s3+$0x280];
	v29 =	vmul.f32 v31, v14;
	(pc) =	sbr.rel @p3 .LBB2_14-.Ltmp12, $4  }
0x12b: {  	v31 =	vmul.f32 v32, v21;
	v32 =	vadd.f32 v25, v24;
	v23 =	vld [tilespmem:s21+$0x280]  }
0x12c: {  	v24 =	vld [tilespmem:s0+$0x300];
	v26 =	vmul.f32 v26, v21;
	v29 =	vadd.f32 v29, v27  }
0x12d: {  	v27 =	vadd.f32 v31, v28;
	v25 =	vld [tilespmem:s3+$0x300];
	v31 =	vmul.f32 v30, v21  }
0x12e: {  	s10 =	sadd.s32 $0x200, s10;
	s20 =	sadd.s32 $0x40, s20;
	v30 =	vmul.f32 v34, v20;
	v28 =	vadd.f32 v26, v32;
	v26 =	vld [tilespmem:s21+$0x300]  }
0x12f: {  	v14 =	vld [tilespmem:s0+$0x380]  }
0x130: {  	v15 =	vld [tilespmem:s3+$0x380]  }
0x131: {  	v16 =	vadd.f32 v31, v29;
	v17 =	vmul.f32 v22, v20;
	v21 =	vld [tilespmem:s21+$0x380];
	v57 =	vmul.f32 v23, v20  }
0x132: {  	v58 =	vadd.f32 v30, v27;
	v59 =	vmul.f32 v24, v19  }
0x133: {  	v17 =	vadd.f32 v17, v28;
	v60 =	vmul.f32 v25, v19;
	v16 =	vadd.f32 v57, v16  }
0x134: {  	v61 =	vadd.f32 v59, v58;
	v62 =	vmul.f32 v26, v19;
	v14 =	vmul.f32 v14, v18  }
0x135: {  	v17 =	vadd.f32 v60, v17;
	v15 =	vmul.f32 v15, v18  }
0x136: {  	v63 =	vmul.f32 v21, v18;
	v16 =	vadd.f32 v62, v16;
	v14 =	vadd.f32 v14, v61  }
0x137: {  	s31 =	sadd.s32 $0x40, s31;
	v15 =	vadd.f32 v15, v17  }
0x138: {  	[tilespmem:s31+$0x0] =	vst v14;
	v14 =	vadd.f32 v63, v16  }
0x139: {  	[tilespmem:s23+$0x0] =	vst v15  }
0x13a: {  	[tilespmem:s11+$0x0] =	vst v14  }
.LBB2_19:
0x13b: {  	s0 =	sand.u32 $0x7, s29  }
0x13c: {  	p3 =	sne.s32 s0, $0x0  }
0x13d: {  	s31 =	sshrl.u32 s30, $0x1D;
	p2 =	por !p2, !p3  }
0x13e: {  	s3 =	simm.s32 $0x1;
	s0 =	sadd.s32 s31, s29;
	p2 =	por !p2, !p2  }
0x13f: {  	s0 =	sshra.s32 s0, $0x3;
	s3 =	simm.s32 @!p2 $0x0  }
0x140: {  	s3 =	ssub.s32 s0, s3  }
0x141: {  	p3 =	slt.s32 s3, $0x1  }
.Ltmp13:
0x142: {  	_ = 	snop;
	(pc) =	sbr.rel @p3 .LBB2_24-.Ltmp13, $1  }
0x143: {  	_ =	sdelay $0x3  }
0x144: {  	s3 =	simm.s32 $0xFFFFFFFF  }
0x145: {  	s3 =	simm.s32 @!p2 $0x0  }
0x146: {  	s0 =	sadd.s32 s3, s0  }
0x147: {  	s3 =	simm.s32 $0x1;
	s0 =	sadd.s32 $0x1, s0  }
.LBB2_21:
0x148: {  	s4 =	sshll.u32 s3, $0xF  }
0x149: {  	s4 =	sadd.s32 s6, s4  }
0x14a: {  	s4 =	sshrl.u32 s4, $0x3  }
0x14b: {  	s29 =	simm.s32 $0x0;
	s4 =	sadd.s32 s1, s4  }
0x14c: {  	[tilespmem:s15], [sflag:$0x4] =	stream.linear.gather [hbm4b:s4+s29], $0x4000, $0x38;
	[tilespmem:$0x5080] =	vst v63  }
0x14d: {  	s9 =	sshll.u32 s3, $0x5;
	_ =	swait.ge [sflag:s22], $0x4000  }
0x14e: {  	s4 =	sshra.s32 s9, $0x2;
	[sflag:s22] =	ssyncset.done $0x0  }
0x14f: {  	s4 =	sand.u32 $0xFFFFFFF0, s4;
	[sflag:s22] =	ssyncadd.s32 $0xFFFFC000  }
0x150: {  	s10 =	sand.u32 $0x60, s29;
	s5 =	sand.u32 $0x3C00, s29;
	v14 =	vld [tilespmem:s4+$0x600]  }
0x151: {  	s21 =	simm.s32 $0x4800;
	s5 =	sadd.s32 $0x800, s5;
	s7 =	sor.u32 $0x10, s10  }
0x152: {  	s8 =	sand.u32 $0x780, s29;
	s9 =	sor.u32 s7, s5;
	v20 =	vld [tilespmem:s21+$0x0]  }
0x153: {  	s23 =	sor.u32 s7, s8;
	v16 =	vld [tilespmem:s9+$0x0]  }
0x154: {  	v18 =	vld [tilespmem:s23+$0x4800]  }
0x155: {  	s7 =	sshll.u32 s3, $0x3;
	s5 =	sor.u32 s10, s5;
	v19 =	vld [tilespmem:s9+$0x80];
	v25 =	vmul.f32 v14, v12  }
0x156: {  	v21 =	vld [tilespmem:s5+$0x0];
	v14 =	vmov s7  }
0x157: {  	s11 =	sor.u32 $0x1, s7;
	s12 =	sor.u32 $0x2, s7;
	v22 =	vld [tilespmem:s9+$0x100];
	v14 =	vperm.xlane v25, v14  }
0x158: {  	s14 =	sor.u32 $0x3, s7;
	v15 =	vmov s11;
	v17 =	vmov s12;
	v24 =	vld [tilespmem:s5+$0x80]  }
0x159: {  	v23 =	vmov s14;
	v27 =	vld [tilespmem:s9+$0x180];
	v15 =	vperm.xlane v25, v15;
	v26 =	vmul.f32 v16, v14  }
0x15a: {  	s20 =	sor.u32 $0x4, s7;
	v28 =	vld [tilespmem:s5+$0x100];
	v16 =	vperm.xlane v25, v17;
	v17 =	vperm.xlane v25, v23  }
0x15b: {  	s30 =	sand.u32 $0x3, s29;
	s11 =	sor.u32 $0x6, s7;
	v23 =	vmov s20;
	v19 =	vmul.f32 v19, v15;
	v26 =	vadd.f32 v26, v18  }
0x15c: {  	s31 =	sor.u32 $0x5, s7;
	v32 =	vmov s11;
	s4 =	sshll.u32 s30, $0x5;
	v29 =	vld [tilespmem:s9+$0x200];
	v21 =	vmul.f32 v21, v14;
	v18 =	vperm.xlane v25, v23  }
0x15d: {  	v30 =	vld [tilespmem:s5+$0x180];
	s10 =	sadd.s32 $0x0, s4;
	v23 =	vmov s31;
	v31 =	vmul.f32 v22, v16;
	v26 =	vadd.f32 v19, v26  }
0x15e: {  	s12 =	sadd.s32 $0x10, s10;
	v20 =	vadd.f32 v21, v20;
	v21 =	vmul.f32 v24, v15;
	v22 =	vld [tilespmem:s9+$0x280];
	v27 =	vmul.f32 v27, v17  }
0x15f: {  	s30 =	sor.u32 $0x300, s12;
	s20 =	sshllo.u32 s3, $0x3;
	v34 =	vmul.f32 v28, v16;
	v19 =	vperm.xlane v25, v23;
	v23 =	vld [tilespmem:s5+$0x200];
	v26 =	vadd.f32 v31, v26  }
0x160: {  	s11 =	simm.s32 $0x4820;
	v24 =	vld [tilespmem:s30+$0x800];
	v33 =	vadd.f32 v21, v20;
	v21 =	vperm.xlane v25, v32;
	v31 =	vmov s20  }
0x161: {  	s4 =	simm.s32 $0x0;
	s14 =	sor.u32 $0x300, s10;
	s31 =	sor.u32 $0x380, s12;
	v28 =	vmul.f32 v29, v18;
	v20 =	vperm.xlane v25, v31;
	v25 =	vld [tilespmem:s5+$0x280];
	v27 =	vadd.f32 v27, v26  }
0x162: {  	s9 =	sor.u32 $0x380, s10;
	v30 =	vmul.f32 v30, v17;
	s10 =	simm.s32 $0x100;
	v29 =	vadd.f32 v34, v33;
	s5 =	simm.s32 $0x20;
	v26 =	vld [tilespmem:s31+$0x800]  }
.LBB2_22:
0x163: {  	s7 =	sand.u32 $0x60, s5;
	s8 =	sand.u32 $0x3C00, s10;
	s4 =	sadd.s32 $0x2, s4;
	v31 =	vld [tilespmem:s14+$0x800];
	v27 =	vadd.f32 v28, v27;
	v22 =	vmul.f32 v22, v19  }
0x164: {  	s8 =	sadd.s32 $0x800, s8;
	s12 =	sor.u32 $0x10, s7;
	p2 =	slt.u32 s4, $0x7E;
	v28 =	vadd.f32 v30, v29;
	v23 =	vmul.f32 v23, v18;
	v29 =	vld [tilespmem:s9+$0x800]  }
0x165: {  	s9 =	sand.u32 $0x780, s5;
	v30 =	vld [tilespmem:s11+$0x0];
	s7 =	sor.u32 s7, s8;
	s8 =	sor.u32 s12, s8;
	v22 =	vadd.f32 v22, v27;
	v24 =	vmul.f32 v24, v21  }
0x166: {  	s9 =	sor.u32 s12, s9;
	v27 =	vld [tilespmem:s8+$0x0];
	v23 =	vadd.f32 v23, v28;
	v25 =	vmul.f32 v25, v19  }
0x167: {  	v28 =	vld [tilespmem:s9+$0x4800];
	v22 =	vadd.f32 v24, v22;
	v24 =	vmul.f32 v26, v20  }
0x168: {  	v26 =	vld [tilespmem:s8+$0x80];
	v23 =	vadd.f32 v25, v23;
	v25 =	vmul.f32 v31, v21  }
0x169: {  	v31 =	vld [tilespmem:s7+$0x0];
	v29 =	vmul.f32 v29, v20;
	v22 =	vadd.f32 v24, v22  }
0x16a: {  	v24 =	vld [tilespmem:s8+$0x100];
	v23 =	vadd.f32 v25, v23  }
0x16b: {  	s29 =	sadd.s32 $0x1, s29;
	v25 =	vld [tilespmem:s7+$0x80];
	v27 =	vmul.f32 v27, v14;
	[tilespmem:s23+$0x4800] =	vst v22;
	s23 =	smov.u32 s9  }
0x16c: {  	s9 =	sand.u32 $0x3, s29;
	v32 =	vld [tilespmem:s8+$0x180];
	v22 =	vadd.f32 v29, v23  }
0x16d: {  	s9 =	sshll.u32 s9, $0x5;
	v29 =	vld [tilespmem:s7+$0x100];
	v23 =	vadd.f32 v27, v28;
	v26 =	vmul.f32 v26, v15  }
0x16e: {  	s12 =	sadd.s32 s9, s10;
	v27 =	vmul.f32 v31, v14;
	v28 =	vld [tilespmem:s8+$0x200];
	[tilespmem:s21+$0x0] =	vst v22;
	s21 =	smov.u32 s11  }
0x16f: {  	s14 =	sor.u32 $0x300, s12;
	v31 =	vld [tilespmem:s7+$0x180];
	v26 =	vadd.f32 v26, v23;
	v24 =	vmul.f32 v24, v16  }
.Ltmp14:
0x170: {  	s9 =	sor.u32 $0x380, s12;
	v27 =	vadd.f32 v27, v30;
	v25 =	vmul.f32 v25, v15;
	v22 =	vld [tilespmem:s8+$0x280];
	s8 =	sadd.s32 $0x10, s12;
	(pc) =	sbr.rel @p2 .LBB2_22-.Ltmp14, $4  }
0x171: {  	v23 =	vld [tilespmem:s7+$0x200];
	v26 =	vadd.f32 v24, v26;
	v30 =	vmul.f32 v32, v17;
	s12 =	sor.u32 $0x300, s8  }
0x172: {  	v32 =	vadd.f32 v25, v27;
	v29 =	vmul.f32 v29, v16;
	v24 =	vld [tilespmem:s12+$0x800]  }
0x173: {  	v25 =	vld [tilespmem:s7+$0x280];
	v27 =	vadd.f32 v30, v26;
	v28 =	vmul.f32 v28, v18;
	s7 =	sor.u32 $0x380, s8  }
0x174: {  	s5 =	sadd.s32 $0x20, s5;
	s10 =	sadd.s32 $0x100, s10;
	s11 =	sadd.s32 $0x20, s11;
	v29 =	vadd.f32 v29, v32;
	v30 =	vmul.f32 v31, v17;
	v26 =	vld [tilespmem:s7+$0x800]  }
0x175: {  	v14 =	vld [tilespmem:s14+$0x800]  }
0x176: {  	v15 =	vadd.f32 v30, v29;
	v16 =	vmul.f32 v23, v18  }
0x177: {  	v17 =	vadd.f32 v28, v27;
	v57 =	vmul.f32 v22, v19;
	v58 =	vld [tilespmem:s9+$0x800]  }
0x178: {  	v15 =	vadd.f32 v16, v15;
	v59 =	vmul.f32 v25, v19  }
0x179: {  	v17 =	vadd.f32 v57, v17;
	v60 =	vmul.f32 v24, v21  }
0x17a: {  	s3 =	sadd.s32 $0x1, s3;
	v15 =	vadd.f32 v59, v15;
	v14 =	vmul.f32 v14, v21  }
0x17b: {  	p2 =	sne.s32 s3, s0;
	v61 =	vadd.f32 v60, v17;
	v62 =	vmul.f32 v26, v20  }
.Ltmp15:
0x17c: {  	v63 =	vmul.f32 v58, v20;
	v14 =	vadd.f32 v14, v15;
	(pc) =	sbr.rel @p2 .LBB2_21-.Ltmp15, $4  }
0x17d: {  	v15 =	vadd.f32 v62, v61  }
0x17e: {  	v14 =	vadd.f32 v63, v14  }
0x17f: {  	[tilespmem:s23+$0x4800] =	vst v15  }
0x180: {  	[tilespmem:s21+$0x0] =	vst v14  }
.LBB2_24:
.Ltmp16:
0x181: {  	(pc) =	sbr.rel @!p0 .LBB2_37-.Ltmp16, $3  }
0x182: {  	_ =	sdelay $0x1  }
0x183: {  	s0 =	rddreg [dreg:$0xa];
	s3 =	simm.s32 $0x4800  }
0x184: {  	[hbm4b:s0+s13] =	stream.strided.scatter [tilespmem:s3], [sflag:$0x3], $0x800, s17, s13, $0x38;
	[tilespmem:$0x5080] =	vst v63  }
0x185: {  	p2 =	sgt.s32 s25, $0xFFFFFFFF  }
.Ltmp17:
0x186: {  	_ = 	snop;
	(pc) =	sbr.rel @!p2 .LBB2_26-.Ltmp17, $2  }
0x187: {  	_ =	sdelay $0x2  }
0x188: {  	s0 =	sadd.s32 $0x1, s25;
	s3 =	ssub.s32 $0x1F, s25  }
0x189: {  	s4 =	sadd.s32 s28, s26  }
0x18a: {  	s5 =	sadd.s32 $0x1, s4  }
0x18b: {  	p2 =	sne.s32 s5, $0x1  }
.Ltmp18:
0x18c: {  	_ = 	snop;
	(pc) =	sbr.rel @!p2 .LBB2_29-.Ltmp18, $3  }
0x18d: {  	_ =	sdelay $0x1  }
0x18e: {  	s4 =	simm.s32 $0x600  }
0x18f: {  	v13 =	vld [tilespmem:s4+$0x0];
	s5 =	sadd.s32 $0xFFFFFFFF, s5  }
.LBB2_28:
0x190: {  	p2 =	sne.s32 s5, $0x1;
	_ =	sdelay $0x2  }
.Ltmp19:
0x191: {  	(pc) =	sbr.rel @p2 .LBB2_28-.Ltmp19, $3  }
0x192: {  	v13 =	vmul.f32 v13, v12;
	_ =	sdelay $0x1  }
0x193: {  	[tilespmem:s4+$0x0] =	vst v13;
	s4 =	sadd.s32 $0x10, s4  }
0x194: {  	s5 =	sadd.s32 $0xFFFFFFFF, s5;
	v13 =	vld [tilespmem:s4+$0x0]  }
.LBB2_29:
0x195: {  	_ = 	snop  }
0x196: {  	p2 =	sgt.u32 s25, $0x1B  }
.Ltmp20:
0x197: {  	_ = 	snop;
	(pc) =	sbr.rel @p2 .LBB2_33-.Ltmp20, $4  }
.Ltmp21:
0x198: {  	_ = 	snop;
	(pc) =	sbr.rel @!p2 .LBB2_30-.Ltmp21, $4  }
0x199: {  	v12 =	vmul.f32 v13, v12  }
0x19a: {  	s3 =	sand.u32 $0xFFFFFFFC, s3  }
0x19b: {  	s3 =	sadd.s32 s0, s3;
	[tilespmem:s4+$0x0] =	vst v12  }
0x19c: {  	_ = 	snop  }
.LBB2_26:
0x19d: {  	s3 =	sand.u32 $0x7FFFFFFC, s3  }
0x19e: {  	s3 =	sadd.s32 s0, s3  }
.LBB2_30:
0x19f: {  	s0 =	sadd.s32 $0x4, s0  }
0x1a0: {  	s4 =	sshll.u32 s25, $0x6;
	p2 =	slt.s32 s0, s3  }
.Ltmp22:
0x1a1: {  	s4 =	sshra.s32 s4, $0x2;
	(pc) =	sbr.rel @!p2 .LBB2_32-.Ltmp22, $4  }
0x1a2: {  	s4 =	sadd.s32 $0x620, s4  }
0x1a3: {  	[tilespmem:s4+$0xFFFFFFF0] =	vst v10  }
0x1a4: {  	[tilespmem:s4+$0x20] =	vst v10  }
0x1a5: {  	[tilespmem:s4+$0x10] =	vst v10  }
.LBB2_31:
0x1a6: {  	s0 =	sadd.s32 $0x4, s0  }
0x1a7: {  	[tilespmem:s4+$0x0] =	vst v10;
	s4 =	sadd.s32 $0x40, s4;
	p2 =	slt.s32 s0, s3  }
.Ltmp23:
0x1a8: {  	[tilespmem:s4+$0xFFFFFFF0] =	vst v10;
	(pc) =	sbr.rel @p2 .LBB2_31-.Ltmp23, $3  }
0x1a9: {  	_ =	sdelay $0x1  }
0x1aa: {  	[tilespmem:s4+$0x20] =	vst v10  }
0x1ab: {  	[tilespmem:s4+$0x10] =	vst v10  }
.LBB2_32:
0x1ac: {  	[tilespmem:s4+$0x0] =	vst v10  }
.LBB2_33:
0x1ad: {  	p2 =	sgt.s32 s3, $0x1F  }
.Ltmp24:
0x1ae: {  	_ = 	snop;
	(pc) =	sbr.rel @p2 .LBB2_36-.Ltmp24, $1  }
0x1af: {  	_ =	sdelay $0x3  }
0x1b0: {  	s0 =	sshll.u32 s3, $0x6  }
0x1b1: {  	s4 =	sshra.s32 s0, $0x2  }
0x1b2: {  	s0 =	sadd.s32 $0xFFFFFFFF, s3;
	s3 =	sadd.s32 $0x600, s4  }
.LBB2_35:
0x1b3: {  	s0 =	sadd.s32 $0x1, s0  }
0x1b4: {  	p2 =	slt.s32 s0, $0x1F  }
.Ltmp25:
0x1b5: {  	_ = 	snop;
	(pc) =	sbr.rel @p2 .LBB2_35-.Ltmp25, $2  }
0x1b6: {  	_ =	sdelay $0x2  }
0x1b7: {  	[tilespmem:s3+$0x0] =	vst v10;
	s3 =	sadd.s32 $0x10, s3  }
.LBB2_36:
.Ltmp26:
0x1b8: {  	s0 =	rddreg [dreg:$0xc];
	s3 =	simm.s32 $0x600;
	(pc) =	sbr.rel .LBB2_38-.Ltmp26, $4  }
0x1b9: {  	[hbm4b:s0+s13] =	stream.strided.scatter [tilespmem:s3], [sflag:$0x4], $0x200, s17, s13, $0x38;
	[tilespmem:$0x5080] =	vst v63  }
0x1ba: {  	_ =	swait.ge [sflag:s22], $0x200  }
0x1bb: {  	[sflag:s22] =	ssyncset.done $0x0  }
0x1bc: {  	[sflag:s22] =	ssyncadd.s32 $0xFFFFFE00  }
.LBB2_9:
.Ltmp27:
0x1bd: {  	(pc) =	sbr.rel .LBB2_11-.Ltmp27, $3  }
0x1be: {  	_ =	sdelay $0x1  }
0x1bf: {  	s7 =	simm.s32 $0x600  }
0x1c0: {  	v15 =	vimm.f32 $0.0e+00;
	s10 =	simm.s32 $0x0;
	s9 =	simm.s32 $0x200;
	v16 =	vimm.f32 $0.0e+00;
	s11 =	simm.s32 $0x0  }
.LBB2_39:
0x1c1: {  	_ =	sfence.sel $0x180000  }
0x1c2: {  	[bflag:$0x0] =	sbarrier.arrive $0xFFFF  }
0x1c3: {  	_ =	strace $0x90000047  }
0x1c4: {  	s0 =	stileid.u32;
	[bflag:$0x2] =	sbarrier.arrive $0xFFFF  }
0x1c5: {  	p0 =	sne.s32 s0, $0x0;
	s0 =	rddreg [dreg:$0x5]  }
0x1c6: {  	s0 =	sadd.s32 @!p0 $0x100000, s0  }
0x1c7: {  	[sflag:s0] =	ssyncadd.tile.s32 @!p0 $0x1;
	_ =	shalt  }
.Lfunc_end2:
_tile_overlayer_lowered:
.L_overlay_start_2:
0x1c8: {  	(tag) =	ssettag $0x2  }
0x1c9: {  	s0 =	rddreg [dreg:$0x0];
	s2 =	stileid.u32  }
0x1ca: {  	s1 =	rddreg [dreg:$0x1];
	p0 =	sne.s32 s2, $0x0  }
0x1cb: {  	s3 =	rddreg [dreg:$0x2];
	[bflag:$0x3] =	sbarrier.arrive $0xFFFF;
	s2 =	simm.s32 @!p0 $0x1C04  }
0x1cc: {  	[timem:s3], [sflag:s2] =	dma.local @!p0 [hbm:s0], s1  }
0x1cd: {  	s0 =	simm.s32 @!p0 $0x4  }
0x1ce: {  	_ =	swait.ge @!p0 [sflag:s0], s1  }
0x1cf: {  	s1 =	ssub.s32 @!p0 $0x0, s1;
	[sflag:s0] =	ssyncset.done @!p0 $0x0  }
0x1d0: {  	[sflag:s0] =	ssyncadd.s32 @!p0 s1  }
0x1d1: {  	[bflag:$0x3] =	sbarrier.arrive $0xFFFF  }
0x1d2: {  	_ =	shalt  }

</sc_bundles>
